<compile_context>
chip_gen: v7x
topology: tpu7x:2x2x1
jax: 0.10.2.dev20260603
libtpu: 0.0.44.dev20260713+nightly
codegen_flags: <defaults>
</compile_context>

<pallas_src>
import jax
import jax.numpy as jnp
from jax import lax
from jax.experimental import pallas as pl
from jax.experimental.pallas import tpu as pltpu
from jax.experimental.pallas import tpu_sc as plsc

B = 16384
L = 200
V = 100000

NC = 2
NS = 16
NW = NC * NS
ROWS_PER_W = B // NW
CHUNK_ROWS = 64
N_CHUNKS = ROWS_PER_W // CHUNK_ROWS
FULL_VECS = L // 16
TAIL = L - FULL_VECS * 16


def _sc_kernel(w_hbm, idx_hbm, b_hbm, out_hbm,
               table_v, idx_v0, idx_v1, out_v, b_v,
               sem_t, sem0, sem1):
    wid = lax.axis_index("s") * NC + lax.axis_index("c")
    row0 = wid * ROWS_PER_W

    tbl_cp = pltpu.async_copy(w_hbm, table_v, sem_t)
    pltpu.sync_copy(b_hbm, b_v)
    bvec = b_v[...]
    lane = lax.iota(jnp.int32, 16)
    tail_mask = lane < TAIL
    last_lane = lane == 15
    zeros = jnp.zeros((16,), jnp.float32)

    idx_bufs = (idx_v0, idx_v1)
    sems = (sem0, sem1)

    def chunk_start(c):
        start = (row0 + c * CHUNK_ROWS) * L
        return pltpu.async_copy(
            idx_hbm.at[pl.ds(start, CHUNK_ROWS * L)],
            idx_bufs[c % 2].at[pl.ds(0, CHUNK_ROWS * L)], sems[c % 2])

    cps = [None, None]
    cps[0] = chunk_start(0)
    tbl_cp.wait()

    for c in range(N_CHUNKS):
        if c + 1 < N_CHUNKS:
            cps[(c + 1) % 2] = chunk_start(c + 1)
        cps[c % 2].wait()
        idx_v = idx_bufs[c % 2]

        def row_body(r, _):
            rowbase = r * L

            def step(k, acc):
                iv = idx_v[pl.ds(rowbase + k * 16, 16)]
                return acc + plsc.load_gather(table_v, [iv])

            acc = lax.fori_loop(0, FULL_VECS, step, zeros, unroll=12)
            ivt = idx_v[pl.ds(rowbase + FULL_VECS * 16, 16)]
            tv = plsc.load_gather(table_v, [ivt], mask=tail_mask)
            acc = acc + jnp.where(tail_mask, tv, zeros)
            total = plsc.cumsum(acc) + bvec
            plsc.store_scatter(
                out_v, [jnp.full((16,), c * CHUNK_ROWS + r, jnp.int32)],
                total, mask=last_lane)
            return 0

        lax.fori_loop(0, CHUNK_ROWS, row_body, 0)

    pltpu.sync_copy(out_v, out_hbm.at[pl.ds(row0, ROWS_PER_W)])


def kernel(batch, W, b):
    idx_flat = batch.reshape(-1).astype(jnp.int32)
    w_flat = W.reshape(-1)
    b16 = jnp.broadcast_to(b.astype(jnp.float32), (16,))

    mesh = plsc.VectorSubcoreMesh(core_axis_name="c", subcore_axis_name="s")
    k = pl.kernel(
        _sc_kernel,
        out_type=jax.ShapeDtypeStruct((B,), jnp.float32),
        mesh=mesh,
        scratch_types=[
            pltpu.VMEM((V,), jnp.float32),
            pltpu.VMEM((CHUNK_ROWS * L + 16,), jnp.int32),
            pltpu.VMEM((CHUNK_ROWS * L + 16,), jnp.int32),
            pltpu.VMEM((ROWS_PER_W,), jnp.float32),
            pltpu.VMEM((16,), jnp.float32),
            pltpu.SemaphoreType.DMA,
            pltpu.SemaphoreType.DMA,
            pltpu.SemaphoreType.DMA,
        ],
        compiler_params=pltpu.CompilerParams(needs_layout_passes=False),
    )
    return k(w_flat, idx_flat, b16)

# --- scband reference (transcript-rebuilt; emitter-appended) ---
"""Pipeline reference for scband-log-reg-61761629716955 (READ-ONLY COPY).

The authoritative reference and input builder live on the scoring server;
editing this copy changes nothing except your own understanding.
"""

import jax, jax.numpy as jnp
import numpy as np

VOCAB_SIZE = 100000

def setup_inputs(seed: int = 0) -> dict:
    key = jax.random.key(seed)
    k1, k2, k3 = jax.random.split(key, 3)
    batch = jax.random.randint(k1, (16384, 200), 0, VOCAB_SIZE, dtype=jnp.int64)
    W = jax.random.normal(k2, (VOCAB_SIZE, 1), dtype=jnp.float32)
    b = jnp.zeros((1,), dtype=jnp.float32)
    return {"batch": batch, "W": W, "b": b}

def reference(batch, W, b):
    # emb_prod = self.w(batch) -> [B, L, 1]
    emb_prod = jnp.take(W, batch, axis=0)
    # dot_prod = torch.sum(emb_prod, 1) -> [B, 1]
    dot_prod = jnp.sum(emb_prod, axis=1)
    # linear_separator = dot_prod + self.b -> [B, 1]
    linear_separator = dot_prod + b
    # .squeeze() -> [B]
    return jnp.squeeze(linear_separator)

if __name__ == "__main__":
    import jax
    _d = setup_inputs()
    print(jax.jit(kernel)(*tuple(_d.values())))

</pallas_src>

<mosaic_0001>
#map = affine_map<(d0, d1) -> (0)>
module attributes {stable_mosaic.version = 14 : i64} {
  func.func @_sc_kernel(%arg0: i32, %arg1: i32, %arg2: memref<100000xf32, #tpu.memory_space<hbm>>, %arg3: memref<3276800xi32, #tpu.memory_space<hbm>>, %arg4: memref<16xf32, #tpu.memory_space<hbm>>, %arg5: memref<16384xf32, #tpu.memory_space<hbm>>, %arg6: memref<100000xf32, #tpu.memory_space<vmem>>, %arg7: memref<12816xi32, #tpu.memory_space<vmem>>, %arg8: memref<12816xi32, #tpu.memory_space<vmem>>, %arg9: memref<512xf32, #tpu.memory_space<vmem>>, %arg10: memref<16xf32, #tpu.memory_space<vmem>>, %arg11: memref<!tpu.dma_semaphore, #tpu.memory_space<semaphore_mem>>, %arg12: memref<!tpu.dma_semaphore, #tpu.memory_space<semaphore_mem>>, %arg13: memref<!tpu.dma_semaphore, #tpu.memory_space<semaphore_mem>>) attributes {dimension_semantics = [#tpu.dimension_semantics<core_parallel>, #tpu.dimension_semantics<subcore_parallel>], iteration_bounds = array<i64: 2, 16>, scalar_prefetch = 0 : i64, scratch_operands = 8 : i64, tpu.core_type = #tpu.core_type<sc_vector_subcore>, window_params = [{transform_indices = #map}, {transform_indices = #map}, {transform_indices = #map}, {transform_indices = #map}]} {
    %mul3A = arith.constant 2 : i32
    %mul3A_0 = arith.muli %arg1, %mul3A : i32
    %add3A = arith.addi %mul3A_0, %arg0 : i32
    %mul3A_1 = arith.constant 512 : i32
    %mul3A_2 = arith.muli %add3A, %mul3A_1 : i32
    tpu.enqueue_dma source(%arg2 : memref<100000xf32, #tpu.memory_space<hbm>>) target(%arg6 : memref<100000xf32, #tpu.memory_space<vmem>>) target_semaphore(%arg11 : memref<!tpu.dma_semaphore, #tpu.memory_space<semaphore_mem>>)
    "tpu.region"() ({
      %run_scoped3A = tpu.sem_alloc : memref<!tpu.dma_semaphore, #tpu.memory_space<semaphore_mem>>
      tpu.enqueue_dma source(%arg4 : memref<16xf32, #tpu.memory_space<hbm>>) target(%arg10 : memref<16xf32, #tpu.memory_space<vmem>>) target_semaphore(%run_scoped3A : memref<!tpu.dma_semaphore, #tpu.memory_space<semaphore_mem>>)
      tpu.wait_dma2 semaphore(%run_scoped3A : memref<!tpu.dma_semaphore, #tpu.memory_space<semaphore_mem>>) src(%arg4 : memref<16xf32, #tpu.memory_space<hbm>>) dst(%arg10 : memref<16xf32, #tpu.memory_space<vmem>>)
      tpu.yield
    }) : () -> ()
    %get3A = arith.constant 0 : index
    %get3A_3 = tpu.vector_load %arg10[%get3A] {strides = array<i32>} : memref<16xf32, #tpu.memory_space<vmem>>, vector<16xf32>,
    %iota3A = tpu.iota {dimensions = array<i32: 0>} : vector<16xi32>
    %lt3A = arith.constant 8 : i32
    %lt3A_4 = vector.broadcast %lt3A : i32 to vector<16xi32>
    %lt3A_5 = arith.cmpi slt, %iota3A, %lt3A_4 : vector<16xi32>
    %eq3A = arith.constant 15 : i32
    %eq3A_6 = vector.broadcast %eq3A : i32 to vector<16xi32>
    %eq3A_7 = arith.cmpi eq, %iota3A, %eq3A_6 : vector<16xi32>
    %broadcast_in_dim3A = arith.constant 0.000000e+00 : f32
    %broadcast_in_dim3A_8 = vector.broadcast %broadcast_in_dim3A : f32 to vector<16xf32>
    %add3A_9 = arith.constant 0 : i32
    %add3A_10 = arith.addi %mul3A_2, %add3A_9 : i32
    %mul3A_11 = arith.constant 200 : i32
    %mul3A_12 = arith.muli %add3A_10, %mul3A_11 : i32
    %dma_start3A = arith.constant 0 : i32
    %dma_start3A_13 = tpu.memref_slice %arg7[%dma_start3A] : memref<12816xi32, #tpu.memory_space<vmem>> -> memref<12800xi32, #tpu.memory_space<vmem>>
    %dma_start3A_14 = tpu.memref_slice %arg3[%mul3A_12] : memref<3276800xi32, #tpu.memory_space<hbm>> -> memref<12800xi32, #tpu.memory_space<hbm>>
    %dma_start3A_15 = arith.constant 0 : i32
    %dma_start3A_16 = tpu.memref_slice %arg7[%dma_start3A_15] : memref<12816xi32, #tpu.memory_space<vmem>> -> memref<12800xi32, #tpu.memory_space<vmem>>
    %dma_start3A_17 = tpu.memref_slice %arg3[%mul3A_12] : memref<3276800xi32, #tpu.memory_space<hbm>> -> memref<12800xi32, #tpu.memory_space<hbm>>
    tpu.enqueue_dma source(%dma_start3A_17 : memref<12800xi32, #tpu.memory_space<hbm>>) target(%dma_start3A_16 : memref<12800xi32, #tpu.memory_space<vmem>>) target_semaphore(%arg12 : memref<!tpu.dma_semaphore, #tpu.memory_space<semaphore_mem>>)
    tpu.wait_dma2 semaphore(%arg11 : memref<!tpu.dma_semaphore, #tpu.memory_space<semaphore_mem>>) src(%arg2 : memref<100000xf32, #tpu.memory_space<hbm>>) dst(%arg6 : memref<100000xf32, #tpu.memory_space<vmem>>)
    %add3A_18 = arith.constant 64 : i32
    %add3A_19 = arith.addi %mul3A_2, %add3A_18 : i32
    %mul3A_20 = arith.constant 200 : i32
    %mul3A_21 = arith.muli %add3A_19, %mul3A_20 : i32
    %dma_start3A_22 = arith.constant 0 : i32
    %dma_start3A_23 = tpu.memref_slice %arg8[%dma_start3A_22] : memref<12816xi32, #tpu.memory_space<vmem>> -> memref<12800xi32, #tpu.memory_space<vmem>>
    %dma_start3A_24 = tpu.memref_slice %arg3[%mul3A_21] : memref<3276800xi32, #tpu.memory_space<hbm>> -> memref<12800xi32, #tpu.memory_space<hbm>>
    %dma_start3A_25 = arith.constant 0 : i32
    %dma_start3A_26 = tpu.memref_slice %arg8[%dma_start3A_25] : memref<12816xi32, #tpu.memory_space<vmem>> -> memref<12800xi32, #tpu.memory_space<vmem>>
    %dma_start3A_27 = tpu.memref_slice %arg3[%mul3A_21] : memref<3276800xi32, #tpu.memory_space<hbm>> -> memref<12800xi32, #tpu.memory_space<hbm>>
    tpu.enqueue_dma source(%dma_start3A_27 : memref<12800xi32, #tpu.memory_space<hbm>>) target(%dma_start3A_26 : memref<12800xi32, #tpu.memory_space<vmem>>) target_semaphore(%arg13 : memref<!tpu.dma_semaphore, #tpu.memory_space<semaphore_mem>>)
    %dma_wait3A = arith.constant 0 : i32
    %dma_wait3A_28 = tpu.memref_slice %arg7[%dma_wait3A] : memref<12816xi32, #tpu.memory_space<vmem>> -> memref<12800xi32, #tpu.memory_space<vmem>>
    %dma_wait3A_29 = tpu.memref_slice %arg3[%mul3A_12] : memref<3276800xi32, #tpu.memory_space<hbm>> -> memref<12800xi32, #tpu.memory_space<hbm>>
    %dma_wait3A_30 = arith.constant 0 : i32
    %dma_wait3A_31 = tpu.memref_slice %arg7[%dma_wait3A_30] : memref<12816xi32, #tpu.memory_space<vmem>> -> memref<12800xi32, #tpu.memory_space<vmem>>
    %dma_wait3A_32 = tpu.memref_slice %arg3[%mul3A_12] : memref<3276800xi32, #tpu.memory_space<hbm>> -> memref<12800xi32, #tpu.memory_space<hbm>>
    tpu.wait_dma2 semaphore(%arg12 : memref<!tpu.dma_semaphore, #tpu.memory_space<semaphore_mem>>) src(%dma_wait3A_32 : memref<12800xi32, #tpu.memory_space<hbm>>) dst(%dma_wait3A_31 : memref<12800xi32, #tpu.memory_space<vmem>>)
    %scan3A = arith.constant 0 : i32
    %scan3A_33 = arith.constant 0 : i32
    %scan3A_34 = arith.constant 64 : i32
    %scan3A_35 = arith.addi %scan3A_33, %scan3A_34 : i32
    %scan3A_36 = arith.constant 1 : i32
    %scan3A_37 = scf.for %scan3A_190 = %scan3A_33 to %scan3A_35 step %scan3A_36 iter_args(%scan3A_191 = %scan3A) -> (i32)  : i32 {
      %mul3A_192 = arith.constant 200 : i32
      %mul3A_193 = arith.muli %scan3A_190, %mul3A_192 : i32
      %scan3A_194 = arith.constant 0 : i32
      %mul3A_195 = arith.constant 16 : i32
      %mul3A_196 = arith.muli %scan3A_194, %mul3A_195 : i32
      %add3A_197 = arith.addi %mul3A_193, %mul3A_196 : i32
      %get3A_198 = arith.index_cast %add3A_197 : i32 to index
      %get3A_199 = tpu.vector_load %arg7[%get3A_198] {strides = array<i32>} : memref<12816xi32, #tpu.memory_space<vmem>>, vector<16xi32>,
      %gather3A = tpu.vector_load_idx %arg6[%get3A_199] : memref<100000xf32, #tpu.memory_space<vmem>>[vector<16xi32>], vector<16xf32>,
      %add3A_200 = arith.addf %broadcast_in_dim3A_8, %gather3A : vector<16xf32>
      %scan3A_201 = arith.constant 1 : i32
      %mul3A_202 = arith.constant 16 : i32
      %mul3A_203 = arith.muli %scan3A_201, %mul3A_202 : i32
      %add3A_204 = arith.addi %mul3A_193, %mul3A_203 : i32
      %get3A_205 = arith.index_cast %add3A_204 : i32 to index
      %get3A_206 = tpu.vector_load %arg7[%get3A_205] {strides = array<i32>} : memref<12816xi32, #tpu.memory_space<vmem>>, vector<16xi32>,
      %gather3A_207 = tpu.vector_load_idx %arg6[%get3A_206] : memref<100000xf32, #tpu.memory_space<vmem>>[vector<16xi32>], vector<16xf32>,
      %add3A_208 = arith.addf %add3A_200, %gather3A_207 : vector<16xf32>
      %scan3A_209 = arith.constant 2 : i32
      %mul3A_210 = arith.constant 16 : i32
      %mul3A_211 = arith.muli %scan3A_209, %mul3A_210 : i32
      %add3A_212 = arith.addi %mul3A_193, %mul3A_211 : i32
      %get3A_213 = arith.index_cast %add3A_212 : i32 to index
      %get3A_214 = tpu.vector_load %arg7[%get3A_213] {strides = array<i32>} : memref<12816xi32, #tpu.memory_space<vmem>>, vector<16xi32>,
      %gather3A_215 = tpu.vector_load_idx %arg6[%get3A_214] : memref<100000xf32, #tpu.memory_space<vmem>>[vector<16xi32>], vector<16xf32>,
      %add3A_216 = arith.addf %add3A_208, %gather3A_215 : vector<16xf32>
      %scan3A_217 = arith.constant 3 : i32
      %mul3A_218 = arith.constant 16 : i32
      %mul3A_219 = arith.muli %scan3A_217, %mul3A_218 : i32
      %add3A_220 = arith.addi %mul3A_193, %mul3A_219 : i32
      %get3A_221 = arith.index_cast %add3A_220 : i32 to index
      %get3A_222 = tpu.vector_load %arg7[%get3A_221] {strides = array<i32>} : memref<12816xi32, #tpu.memory_space<vmem>>, vector<16xi32>,
      %gather3A_223 = tpu.vector_load_idx %arg6[%get3A_222] : memref<100000xf32, #tpu.memory_space<vmem>>[vector<16xi32>], vector<16xf32>,
      %add3A_224 = arith.addf %add3A_216, %gather3A_223 : vector<16xf32>
      %scan3A_225 = arith.constant 4 : i32
      %mul3A_226 = arith.constant 16 : i32
      %mul3A_227 = arith.muli %scan3A_225, %mul3A_226 : i32
      %add3A_228 = arith.addi %mul3A_193, %mul3A_227 : i32
      %get3A_229 = arith.index_cast %add3A_228 : i32 to index
      %get3A_230 = tpu.vector_load %arg7[%get3A_229] {strides = array<i32>} : memref<12816xi32, #tpu.memory_space<vmem>>, vector<16xi32>,
      %gather3A_231 = tpu.vector_load_idx %arg6[%get3A_230] : memref<100000xf32, #tpu.memory_space<vmem>>[vector<16xi32>], vector<16xf32>,
      %add3A_232 = arith.addf %add3A_224, %gather3A_231 : vector<16xf32>
      %scan3A_233 = arith.constant 5 : i32
      %mul3A_234 = arith.constant 16 : i32
      %mul3A_235 = arith.muli %scan3A_233, %mul3A_234 : i32
      %add3A_236 = arith.addi %mul3A_193, %mul3A_235 : i32
      %get3A_237 = arith.index_cast %add3A_236 : i32 to index
      %get3A_238 = tpu.vector_load %arg7[%get3A_237] {strides = array<i32>} : memref<12816xi32, #tpu.memory_space<vmem>>, vector<16xi32>,
      %gather3A_239 = tpu.vector_load_idx %arg6[%get3A_238] : memref<100000xf32, #tpu.memory_space<vmem>>[vector<16xi32>], vector<16xf32>,
      %add3A_240 = arith.addf %add3A_232, %gather3A_239 : vector<16xf32>
      %scan3A_241 = arith.constant 6 : i32
      %mul3A_242 = arith.constant 16 : i32
      %mul3A_243 = arith.muli %scan3A_241, %mul3A_242 : i32
      %add3A_244 = arith.addi %mul3A_193, %mul3A_243 : i32
      %get3A_245 = arith.index_cast %add3A_244 : i32 to index
      %get3A_246 = tpu.vector_load %arg7[%get3A_245] {strides = array<i32>} : memref<12816xi32, #tpu.memory_space<vmem>>, vector<16xi32>,
      %gather3A_247 = tpu.vector_load_idx %arg6[%get3A_246] : memref<100000xf32, #tpu.memory_space<vmem>>[vector<16xi32>], vector<16xf32>,
      %add3A_248 = arith.addf %add3A_240, %gather3A_247 : vector<16xf32>
      %scan3A_249 = arith.constant 7 : i32
      %mul3A_250 = arith.constant 16 : i32
      %mul3A_251 = arith.muli %scan3A_249, %mul3A_250 : i32
      %add3A_252 = arith.addi %mul3A_193, %mul3A_251 : i32
      %get3A_253 = arith.index_cast %add3A_252 : i32 to index
      %get3A_254 = tpu.vector_load %arg7[%get3A_253] {strides = array<i32>} : memref<12816xi32, #tpu.memory_space<vmem>>, vector<16xi32>,
      %gather3A_255 = tpu.vector_load_idx %arg6[%get3A_254] : memref<100000xf32, #tpu.memory_space<vmem>>[vector<16xi32>], vector<16xf32>,
      %add3A_256 = arith.addf %add3A_248, %gather3A_255 : vector<16xf32>
      %scan3A_257 = arith.constant 8 : i32
      %mul3A_258 = arith.constant 16 : i32
      %mul3A_259 = arith.muli %scan3A_257, %mul3A_258 : i32
      %add3A_260 = arith.addi %mul3A_193, %mul3A_259 : i32
      %get3A_261 = arith.index_cast %add3A_260 : i32 to index
      %get3A_262 = tpu.vector_load %arg7[%get3A_261] {strides = array<i32>} : memref<12816xi32, #tpu.memory_space<vmem>>, vector<16xi32>,
      %gather3A_263 = tpu.vector_load_idx %arg6[%get3A_262] : memref<100000xf32, #tpu.memory_space<vmem>>[vector<16xi32>], vector<16xf32>,
      %add3A_264 = arith.addf %add3A_256, %gather3A_263 : vector<16xf32>
      %scan3A_265 = arith.constant 9 : i32
      %mul3A_266 = arith.constant 16 : i32
      %mul3A_267 = arith.muli %scan3A_265, %mul3A_266 : i32
      %add3A_268 = arith.addi %mul3A_193, %mul3A_267 : i32
      %get3A_269 = arith.index_cast %add3A_268 : i32 to index
      %get3A_270 = tpu.vector_load %arg7[%get3A_269] {strides = array<i32>} : memref<12816xi32, #tpu.memory_space<vmem>>, vector<16xi32>,
      %gather3A_271 = tpu.vector_load_idx %arg6[%get3A_270] : memref<100000xf32, #tpu.memory_space<vmem>>[vector<16xi32>], vector<16xf32>,
      %add3A_272 = arith.addf %add3A_264, %gather3A_271 : vector<16xf32>
      %scan3A_273 = arith.constant 10 : i32
      %mul3A_274 = arith.constant 16 : i32
      %mul3A_275 = arith.muli %scan3A_273, %mul3A_274 : i32
      %add3A_276 = arith.addi %mul3A_193, %mul3A_275 : i32
      %get3A_277 = arith.index_cast %add3A_276 : i32 to index
      %get3A_278 = tpu.vector_load %arg7[%get3A_277] {strides = array<i32>} : memref<12816xi32, #tpu.memory_space<vmem>>, vector<16xi32>,
      %gather3A_279 = tpu.vector_load_idx %arg6[%get3A_278] : memref<100000xf32, #tpu.memory_space<vmem>>[vector<16xi32>], vector<16xf32>,
      %add3A_280 = arith.addf %add3A_272, %gather3A_279 : vector<16xf32>
      %scan3A_281 = arith.constant 11 : i32
      %mul3A_282 = arith.constant 16 : i32
      %mul3A_283 = arith.muli %scan3A_281, %mul3A_282 : i32
      %add3A_284 = arith.addi %mul3A_193, %mul3A_283 : i32
      %get3A_285 = arith.index_cast %add3A_284 : i32 to index
      %get3A_286 = tpu.vector_load %arg7[%get3A_285] {strides = array<i32>} : memref<12816xi32, #tpu.memory_space<vmem>>, vector<16xi32>,
      %gather3A_287 = tpu.vector_load_idx %arg6[%get3A_286] : memref<100000xf32, #tpu.memory_space<vmem>>[vector<16xi32>], vector<16xf32>,
      %add3A_288 = arith.addf %add3A_280, %gather3A_287 : vector<16xf32>
      %scan3A_289 = arith.constant 12 : i32
      %add3A_290 = arith.constant 192 : i32
      %add3A_291 = arith.addi %mul3A_193, %add3A_290 : i32
      %get3A_292 = arith.index_cast %add3A_291 : i32 to index
      %get3A_293 = tpu.vector_load %arg7[%get3A_292] {strides = array<i32>} : memref<12816xi32, #tpu.memory_space<vmem>>, vector<16xi32>,
      %gather3A_294 = tpu.vector_load_idx %arg6[%get3A_293] masked %lt3A_5 : memref<100000xf32, #tpu.memory_space<vmem>>[vector<16xi32>], vector<16xf32>, vector<16xi1>
      %select_n3A = arith.select %lt3A_5, %gather3A_294, %broadcast_in_dim3A_8 : vector<16xi1>, vector<16xf32>
      %add3A_295 = arith.addf %add3A_288, %select_n3A : vector<16xf32>
      %broadcast_in_dim3A_296 = arith.constant true
      %broadcast_in_dim3A_297 = vector.broadcast %broadcast_in_dim3A_296 : i1 to vector<16xi1>
      %masked_cumsum3A = tpu.scan <sum>, %add3A_295 masked %broadcast_in_dim3A_297 : vector<16xf32>, vector<16xi1> -> vector<16xf32>
      %add3A_298 = arith.addf %masked_cumsum3A, %get3A_3 : vector<16xf32>
      %add3A_299 = arith.constant 0 : i32
      %add3A_300 = arith.addi %add3A_299, %scan3A_190 : i32
      %broadcast_in_dim3A_301 = vector.broadcast %add3A_300 : i32 to vector<16xi32>
      tpu.vector_store_idx %arg9[%broadcast_in_dim3A_301], %add3A_298 masked %eq3A_7 : memref<512xf32, #tpu.memory_space<vmem>>[vector<16xi32>], vector<16xf32>, vector<16xi1>
      %scan3A_302 = arith.constant 0 : i32
      scf.yield %scan3A_302 : i32
    }
    %scan3A_38 = arith.constant 64 : i32
    %add3A_39 = arith.constant 128 : i32
    %add3A_40 = arith.addi %mul3A_2, %add3A_39 : i32
    %mul3A_41 = arith.constant 200 : i32
    %mul3A_42 = arith.muli %add3A_40, %mul3A_41 : i32
    %dma_start3A_43 = arith.constant 0 : i32
    %dma_start3A_44 = tpu.memref_slice %arg7[%dma_start3A_43] : memref<12816xi32, #tpu.memory_space<vmem>> -> memref<12800xi32, #tpu.memory_space<vmem>>
    %dma_start3A_45 = tpu.memref_slice %arg3[%mul3A_42] : memref<3276800xi32, #tpu.memory_space<hbm>> -> memref<12800xi32, #tpu.memory_space<hbm>>
    %dma_start3A_46 = arith.constant 0 : i32
    %dma_start3A_47 = tpu.memref_slice %arg7[%dma_start3A_46] : memref<12816xi32, #tpu.memory_space<vmem>> -> memref<12800xi32, #tpu.memory_space<vmem>>
    %dma_start3A_48 = tpu.memref_slice %arg3[%mul3A_42] : memref<3276800xi32, #tpu.memory_space<hbm>> -> memref<12800xi32, #tpu.memory_space<hbm>>
    tpu.enqueue_dma source(%dma_start3A_48 : memref<12800xi32, #tpu.memory_space<hbm>>) target(%dma_start3A_47 : memref<12800xi32, #tpu.memory_space<vmem>>) target_semaphore(%arg12 : memref<!tpu.dma_semaphore, #tpu.memory_space<semaphore_mem>>)
    %dma_wait3A_49 = arith.constant 0 : i32
    %dma_wait3A_50 = tpu.memref_slice %arg8[%dma_wait3A_49] : memref<12816xi32, #tpu.memory_space<vmem>> -> memref<12800xi32, #tpu.memory_space<vmem>>
    %dma_wait3A_51 = tpu.memref_slice %arg3[%mul3A_21] : memref<3276800xi32, #tpu.memory_space<hbm>> -> memref<12800xi32, #tpu.memory_space<hbm>>
    %dma_wait3A_52 = arith.constant 0 : i32
    %dma_wait3A_53 = tpu.memref_slice %arg8[%dma_wait3A_52] : memref<12816xi32, #tpu.memory_space<vmem>> -> memref<12800xi32, #tpu.memory_space<vmem>>
    %dma_wait3A_54 = tpu.memref_slice %arg3[%mul3A_21] : memref<3276800xi32, #tpu.memory_space<hbm>> -> memref<12800xi32, #tpu.memory_space<hbm>>
    tpu.wait_dma2 semaphore(%arg13 : memref<!tpu.dma_semaphore, #tpu.memory_space<semaphore_mem>>) src(%dma_wait3A_54 : memref<12800xi32, #tpu.memory_space<hbm>>) dst(%dma_wait3A_53 : memref<12800xi32, #tpu.memory_space<vmem>>)
    %scan3A_55 = arith.constant 0 : i32
    %scan3A_56 = arith.constant 0 : i32
    %scan3A_57 = arith.constant 64 : i32
    %scan3A_58 = arith.addi %scan3A_56, %scan3A_57 : i32
    %scan3A_59 = arith.constant 1 : i32
    %scan3A_60 = scf.for %scan3A_190 = %scan3A_56 to %scan3A_58 step %scan3A_59 iter_args(%scan3A_191 = %scan3A_55) -> (i32)  : i32 {
      %mul3A_192 = arith.constant 200 : i32
      %mul3A_193 = arith.muli %scan3A_190, %mul3A_192 : i32
      %scan3A_194 = arith.constant 0 : i32
      %mul3A_195 = arith.constant 16 : i32
      %mul3A_196 = arith.muli %scan3A_194, %mul3A_195 : i32
      %add3A_197 = arith.addi %mul3A_193, %mul3A_196 : i32
      %get3A_198 = arith.index_cast %add3A_197 : i32 to index
      %get3A_199 = tpu.vector_load %arg8[%get3A_198] {strides = array<i32>} : memref<12816xi32, #tpu.memory_space<vmem>>, vector<16xi32>,
      %gather3A = tpu.vector_load_idx %arg6[%get3A_199] : memref<100000xf32, #tpu.memory_space<vmem>>[vector<16xi32>], vector<16xf32>,
      %add3A_200 = arith.addf %broadcast_in_dim3A_8, %gather3A : vector<16xf32>
      %scan3A_201 = arith.constant 1 : i32
      %mul3A_202 = arith.constant 16 : i32
      %mul3A_203 = arith.muli %scan3A_201, %mul3A_202 : i32
      %add3A_204 = arith.addi %mul3A_193, %mul3A_203 : i32
      %get3A_205 = arith.index_cast %add3A_204 : i32 to index
      %get3A_206 = tpu.vector_load %arg8[%get3A_205] {strides = array<i32>} : memref<12816xi32, #tpu.memory_space<vmem>>, vector<16xi32>,
      %gather3A_207 = tpu.vector_load_idx %arg6[%get3A_206] : memref<100000xf32, #tpu.memory_space<vmem>>[vector<16xi32>], vector<16xf32>,
      %add3A_208 = arith.addf %add3A_200, %gather3A_207 : vector<16xf32>
      %scan3A_209 = arith.constant 2 : i32
      %mul3A_210 = arith.constant 16 : i32
      %mul3A_211 = arith.muli %scan3A_209, %mul3A_210 : i32
      %add3A_212 = arith.addi %mul3A_193, %mul3A_211 : i32
      %get3A_213 = arith.index_cast %add3A_212 : i32 to index
      %get3A_214 = tpu.vector_load %arg8[%get3A_213] {strides = array<i32>} : memref<12816xi32, #tpu.memory_space<vmem>>, vector<16xi32>,
      %gather3A_215 = tpu.vector_load_idx %arg6[%get3A_214] : memref<100000xf32, #tpu.memory_space<vmem>>[vector<16xi32>], vector<16xf32>,
      %add3A_216 = arith.addf %add3A_208, %gather3A_215 : vector<16xf32>
      %scan3A_217 = arith.constant 3 : i32
      %mul3A_218 = arith.constant 16 : i32
      %mul3A_219 = arith.muli %scan3A_217, %mul3A_218 : i32
      %add3A_220 = arith.addi %mul3A_193, %mul3A_219 : i32
      %get3A_221 = arith.index_cast %add3A_220 : i32 to index
      %get3A_222 = tpu.vector_load %arg8[%get3A_221] {strides = array<i32>} : memref<12816xi32, #tpu.memory_space<vmem>>, vector<16xi32>,
      %gather3A_223 = tpu.vector_load_idx %arg6[%get3A_222] : memref<100000xf32, #tpu.memory_space<vmem>>[vector<16xi32>], vector<16xf32>,
      %add3A_224 = arith.addf %add3A_216, %gather3A_223 : vector<16xf32>
      %scan3A_225 = arith.constant 4 : i32
      %mul3A_226 = arith.constant 16 : i32
      %mul3A_227 = arith.muli %scan3A_225, %mul3A_226 : i32
      %add3A_228 = arith.addi %mul3A_193, %mul3A_227 : i32
      %get3A_229 = arith.index_cast %add3A_228 : i32 to index
      %get3A_230 = tpu.vector_load %arg8[%get3A_229] {strides = array<i32>} : memref<12816xi32, #tpu.memory_space<vmem>>, vector<16xi32>,
      %gather3A_231 = tpu.vector_load_idx %arg6[%get3A_230] : memref<100000xf32, #tpu.memory_space<vmem>>[vector<16xi32>], vector<16xf32>,
      %add3A_232 = arith.addf %add3A_224, %gather3A_231 : vector<16xf32>
      %scan3A_233 = arith.constant 5 : i32
      %mul3A_234 = arith.constant 16 : i32
      %mul3A_235 = arith.muli %scan3A_233, %mul3A_234 : i32
      %add3A_236 = arith.addi %mul3A_193, %mul3A_235 : i32
      %get3A_237 = arith.index_cast %add3A_236 : i32 to index
      %get3A_238 = tpu.vector_load %arg8[%get3A_237] {strides = array<i32>} : memref<12816xi32, #tpu.memory_space<vmem>>, vector<16xi32>,
      %gather3A_239 = tpu.vector_load_idx %arg6[%get3A_238] : memref<100000xf32, #tpu.memory_space<vmem>>[vector<16xi32>], vector<16xf32>,
      %add3A_240 = arith.addf %add3A_232, %gather3A_239 : vector<16xf32>
      %scan3A_241 = arith.constant 6 : i32
      %mul3A_242 = arith.constant 16 : i32
      %mul3A_243 = arith.muli %scan3A_241, %mul3A_242 : i32
      %add3A_244 = arith.addi %mul3A_193, %mul3A_243 : i32
      %get3A_245 = arith.index_cast %add3A_244 : i32 to index
      %get3A_246 = tpu.vector_load %arg8[%get3A_245] {strides = array<i32>} : memref<12816xi32, #tpu.memory_space<vmem>>, vector<16xi32>,
      %gather3A_247 = tpu.vector_load_idx %arg6[%get3A_246] : memref<100000xf32, #tpu.memory_space<vmem>>[vector<16xi32>], vector<16xf32>,
      %add3A_248 = arith.addf %add3A_240, %gather3A_247 : vector<16xf32>
      %scan3A_249 = arith.constant 7 : i32
      %mul3A_250 = arith.constant 16 : i32
      %mul3A_251 = arith.muli %scan3A_249, %mul3A_250 : i32
      %add3A_252 = arith.addi %mul3A_193, %mul3A_251 : i32
      %get3A_253 = arith.index_cast %add3A_252 : i32 to index
      %get3A_254 = tpu.vector_load %arg8[%get3A_253] {strides = array<i32>} : memref<12816xi32, #tpu.memory_space<vmem>>, vector<16xi32>,
      %gather3A_255 = tpu.vector_load_idx %arg6[%get3A_254] : memref<100000xf32, #tpu.memory_space<vmem>>[vector<16xi32>], vector<16xf32>,
      %add3A_256 = arith.addf %add3A_248, %gather3A_255 : vector<16xf32>
      %scan3A_257 = arith.constant 8 : i32
      %mul3A_258 = arith.constant 16 : i32
      %mul3A_259 = arith.muli %scan3A_257, %mul3A_258 : i32
      %add3A_260 = arith.addi %mul3A_193, %mul3A_259 : i32
      %get3A_261 = arith.index_cast %add3A_260 : i32 to index
      %get3A_262 = tpu.vector_load %arg8[%get3A_261] {strides = array<i32>} : memref<12816xi32, #tpu.memory_space<vmem>>, vector<16xi32>,
      %gather3A_263 = tpu.vector_load_idx %arg6[%get3A_262] : memref<100000xf32, #tpu.memory_space<vmem>>[vector<16xi32>], vector<16xf32>,
      %add3A_264 = arith.addf %add3A_256, %gather3A_263 : vector<16xf32>
      %scan3A_265 = arith.constant 9 : i32
      %mul3A_266 = arith.constant 16 : i32
      %mul3A_267 = arith.muli %scan3A_265, %mul3A_266 : i32
      %add3A_268 = arith.addi %mul3A_193, %mul3A_267 : i32
      %get3A_269 = arith.index_cast %add3A_268 : i32 to index
      %get3A_270 = tpu.vector_load %arg8[%get3A_269] {strides = array<i32>} : memref<12816xi32, #tpu.memory_space<vmem>>, vector<16xi32>,
      %gather3A_271 = tpu.vector_load_idx %arg6[%get3A_270] : memref<100000xf32, #tpu.memory_space<vmem>>[vector<16xi32>], vector<16xf32>,
      %add3A_272 = arith.addf %add3A_264, %gather3A_271 : vector<16xf32>
      %scan3A_273 = arith.constant 10 : i32
      %mul3A_274 = arith.constant 16 : i32
      %mul3A_275 = arith.muli %scan3A_273, %mul3A_274 : i32
      %add3A_276 = arith.addi %mul3A_193, %mul3A_275 : i32
      %get3A_277 = arith.index_cast %add3A_276 : i32 to index
      %get3A_278 = tpu.vector_load %arg8[%get3A_277] {strides = array<i32>} : memref<12816xi32, #tpu.memory_space<vmem>>, vector<16xi32>,
      %gather3A_279 = tpu.vector_load_idx %arg6[%get3A_278] : memref<100000xf32, #tpu.memory_space<vmem>>[vector<16xi32>], vector<16xf32>,
      %add3A_280 = arith.addf %add3A_272, %gather3A_279 : vector<16xf32>
      %scan3A_281 = arith.constant 11 : i32
      %mul3A_282 = arith.constant 16 : i32
      %mul3A_283 = arith.muli %scan3A_281, %mul3A_282 : i32
      %add3A_284 = arith.addi %mul3A_193, %mul3A_283 : i32
      %get3A_285 = arith.index_cast %add3A_284 : i32 to index
      %get3A_286 = tpu.vector_load %arg8[%get3A_285] {strides = array<i32>} : memref<12816xi32, #tpu.memory_space<vmem>>, vector<16xi32>,
      %gather3A_287 = tpu.vector_load_idx %arg6[%get3A_286] : memref<100000xf32, #tpu.memory_space<vmem>>[vector<16xi32>], vector<16xf32>,
      %add3A_288 = arith.addf %add3A_280, %gather3A_287 : vector<16xf32>
      %scan3A_289 = arith.constant 12 : i32
      %add3A_290 = arith.constant 192 : i32
      %add3A_291 = arith.addi %mul3A_193, %add3A_290 : i32
      %get3A_292 = arith.index_cast %add3A_291 : i32 to index
      %get3A_293 = tpu.vector_load %arg8[%get3A_292] {strides = array<i32>} : memref<12816xi32, #tpu.memory_space<vmem>>, vector<16xi32>,
      %gather3A_294 = tpu.vector_load_idx %arg6[%get3A_293] masked %lt3A_5 : memref<100000xf32, #tpu.memory_space<vmem>>[vector<16xi32>], vector<16xf32>, vector<16xi1>
      %select_n3A = arith.select %lt3A_5, %gather3A_294, %broadcast_in_dim3A_8 : vector<16xi1>, vector<16xf32>
      %add3A_295 = arith.addf %add3A_288, %select_n3A : vector<16xf32>
      %broadcast_in_dim3A_296 = arith.constant true
      %broadcast_in_dim3A_297 = vector.broadcast %broadcast_in_dim3A_296 : i1 to vector<16xi1>
      %masked_cumsum3A = tpu.scan <sum>, %add3A_295 masked %broadcast_in_dim3A_297 : vector<16xf32>, vector<16xi1> -> vector<16xf32>
      %add3A_298 = arith.addf %masked_cumsum3A, %get3A_3 : vector<16xf32>
      %add3A_299 = arith.constant 64 : i32
      %add3A_300 = arith.addi %add3A_299, %scan3A_190 : i32
      %broadcast_in_dim3A_301 = vector.broadcast %add3A_300 : i32 to vector<16xi32>
      tpu.vector_store_idx %arg9[%broadcast_in_dim3A_301], %add3A_298 masked %eq3A_7 : memref<512xf32, #tpu.memory_space<vmem>>[vector<16xi32>], vector<16xf32>, vector<16xi1>
      %scan3A_302 = arith.constant 0 : i32
      scf.yield %scan3A_302 : i32
    }
    %scan3A_61 = arith.constant 64 : i32
    %add3A_62 = arith.constant 192 : i32
    %add3A_63 = arith.addi %mul3A_2, %add3A_62 : i32
    %mul3A_64 = arith.constant 200 : i32
    %mul3A_65 = arith.muli %add3A_63, %mul3A_64 : i32
    %dma_start3A_66 = arith.constant 0 : i32
    %dma_start3A_67 = tpu.memref_slice %arg8[%dma_start3A_66] : memref<12816xi32, #tpu.memory_space<vmem>> -> memref<12800xi32, #tpu.memory_space<vmem>>
    %dma_start3A_68 = tpu.memref_slice %arg3[%mul3A_65] : memref<3276800xi32, #tpu.memory_space<hbm>> -> memref<12800xi32, #tpu.memory_space<hbm>>
    %dma_start3A_69 = arith.constant 0 : i32
    %dma_start3A_70 = tpu.memref_slice %arg8[%dma_start3A_69] : memref<12816xi32, #tpu.memory_space<vmem>> -> memref<12800xi32, #tpu.memory_space<vmem>>
    %dma_start3A_71 = tpu.memref_slice %arg3[%mul3A_65] : memref<3276800xi32, #tpu.memory_space<hbm>> -> memref<12800xi32, #tpu.memory_space<hbm>>
    tpu.enqueue_dma source(%dma_start3A_71 : memref<12800xi32, #tpu.memory_space<hbm>>) target(%dma_start3A_70 : memref<12800xi32, #tpu.memory_space<vmem>>) target_semaphore(%arg13 : memref<!tpu.dma_semaphore, #tpu.memory_space<semaphore_mem>>)
    %dma_wait3A_72 = arith.constant 0 : i32
    %dma_wait3A_73 = tpu.memref_slice %arg7[%dma_wait3A_72] : memref<12816xi32, #tpu.memory_space<vmem>> -> memref<12800xi32, #tpu.memory_space<vmem>>
    %dma_wait3A_74 = tpu.memref_slice %arg3[%mul3A_42] : memref<3276800xi32, #tpu.memory_space<hbm>> -> memref<12800xi32, #tpu.memory_space<hbm>>
    %dma_wait3A_75 = arith.constant 0 : i32
    %dma_wait3A_76 = tpu.memref_slice %arg7[%dma_wait3A_75] : memref<12816xi32, #tpu.memory_space<vmem>> -> memref<12800xi32, #tpu.memory_space<vmem>>
    %dma_wait3A_77 = tpu.memref_slice %arg3[%mul3A_42] : memref<3276800xi32, #tpu.memory_space<hbm>> -> memref<12800xi32, #tpu.memory_space<hbm>>
    tpu.wait_dma2 semaphore(%arg12 : memref<!tpu.dma_semaphore, #tpu.memory_space<semaphore_mem>>) src(%dma_wait3A_77 : memref<12800xi32, #tpu.memory_space<hbm>>) dst(%dma_wait3A_76 : memref<12800xi32, #tpu.memory_space<vmem>>)
    %scan3A_78 = arith.constant 0 : i32
    %scan3A_79 = arith.constant 0 : i32
    %scan3A_80 = arith.constant 64 : i32
    %scan3A_81 = arith.addi %scan3A_79, %scan3A_80 : i32
    %scan3A_82 = arith.constant 1 : i32
    %scan3A_83 = scf.for %scan3A_190 = %scan3A_79 to %scan3A_81 step %scan3A_82 iter_args(%scan3A_191 = %scan3A_78) -> (i32)  : i32 {
      %mul3A_192 = arith.constant 200 : i32
      %mul3A_193 = arith.muli %scan3A_190, %mul3A_192 : i32
      %scan3A_194 = arith.constant 0 : i32
      %mul3A_195 = arith.constant 16 : i32
      %mul3A_196 = arith.muli %scan3A_194, %mul3A_195 : i32
      %add3A_197 = arith.addi %mul3A_193, %mul3A_196 : i32
      %get3A_198 = arith.index_cast %add3A_197 : i32 to index
      %get3A_199 = tpu.vector_load %arg7[%get3A_198] {strides = array<i32>} : memref<12816xi32, #tpu.memory_space<vmem>>, vector<16xi32>,
      %gather3A = tpu.vector_load_idx %arg6[%get3A_199] : memref<100000xf32, #tpu.memory_space<vmem>>[vector<16xi32>], vector<16xf32>,
      %add3A_200 = arith.addf %broadcast_in_dim3A_8, %gather3A : vector<16xf32>
      %scan3A_201 = arith.constant 1 : i32
      %mul3A_202 = arith.constant 16 : i32
      %mul3A_203 = arith.muli %scan3A_201, %mul3A_202 : i32
      %add3A_204 = arith.addi %mul3A_193, %mul3A_203 : i32
      %get3A_205 = arith.index_cast %add3A_204 : i32 to index
      %get3A_206 = tpu.vector_load %arg7[%get3A_205] {strides = array<i32>} : memref<12816xi32, #tpu.memory_space<vmem>>, vector<16xi32>,
      %gather3A_207 = tpu.vector_load_idx %arg6[%get3A_206] : memref<100000xf32, #tpu.memory_space<vmem>>[vector<16xi32>], vector<16xf32>,
      %add3A_208 = arith.addf %add3A_200, %gather3A_207 : vector<16xf32>
      %scan3A_209 = arith.constant 2 : i32
      %mul3A_210 = arith.constant 16 : i32
      %mul3A_211 = arith.muli %scan3A_209, %mul3A_210 : i32
      %add3A_212 = arith.addi %mul3A_193, %mul3A_211 : i32
      %get3A_213 = arith.index_cast %add3A_212 : i32 to index
      %get3A_214 = tpu.vector_load %arg7[%get3A_213] {strides = array<i32>} : memref<12816xi32, #tpu.memory_space<vmem>>, vector<16xi32>,
      %gather3A_215 = tpu.vector_load_idx %arg6[%get3A_214] : memref<100000xf32, #tpu.memory_space<vmem>>[vector<16xi32>], vector<16xf32>,
      %add3A_216 = arith.addf %add3A_208, %gather3A_215 : vector<16xf32>
      %scan3A_217 = arith.constant 3 : i32
      %mul3A_218 = arith.constant 16 : i32
      %mul3A_219 = arith.muli %scan3A_217, %mul3A_218 : i32
      %add3A_220 = arith.addi %mul3A_193, %mul3A_219 : i32
      %get3A_221 = arith.index_cast %add3A_220 : i32 to index
      %get3A_222 = tpu.vector_load %arg7[%get3A_221] {strides = array<i32>} : memref<12816xi32, #tpu.memory_space<vmem>>, vector<16xi32>,
      %gather3A_223 = tpu.vector_load_idx %arg6[%get3A_222] : memref<100000xf32, #tpu.memory_space<vmem>>[vector<16xi32>], vector<16xf32>,
      %add3A_224 = arith.addf %add3A_216, %gather3A_223 : vector<16xf32>
      %scan3A_225 = arith.constant 4 : i32
      %mul3A_226 = arith.constant 16 : i32
      %mul3A_227 = arith.muli %scan3A_225, %mul3A_226 : i32
      %add3A_228 = arith.addi %mul3A_193, %mul3A_227 : i32
      %get3A_229 = arith.index_cast %add3A_228 : i32 to index
      %get3A_230 = tpu.vector_load %arg7[%get3A_229] {strides = array<i32>} : memref<12816xi32, #tpu.memory_space<vmem>>, vector<16xi32>,
      %gather3A_231 = tpu.vector_load_idx %arg6[%get3A_230] : memref<100000xf32, #tpu.memory_space<vmem>>[vector<16xi32>], vector<16xf32>,
      %add3A_232 = arith.addf %add3A_224, %gather3A_231 : vector<16xf32>
      %scan3A_233 = arith.constant 5 : i32
      %mul3A_234 = arith.constant 16 : i32
      %mul3A_235 = arith.muli %scan3A_233, %mul3A_234 : i32
      %add3A_236 = arith.addi %mul3A_193, %mul3A_235 : i32
      %get3A_237 = arith.index_cast %add3A_236 : i32 to index
      %get3A_238 = tpu.vector_load %arg7[%get3A_237] {strides = array<i32>} : memref<12816xi32, #tpu.memory_space<vmem>>, vector<16xi32>,
      %gather3A_239 = tpu.vector_load_idx %arg6[%get3A_238] : memref<100000xf32, #tpu.memory_space<vmem>>[vector<16xi32>], vector<16xf32>,
      %add3A_240 = arith.addf %add3A_232, %gather3A_239 : vector<16xf32>
      %scan3A_241 = arith.constant 6 : i32
      %mul3A_242 = arith.constant 16 : i32
      %mul3A_243 = arith.muli %scan3A_241, %mul3A_242 : i32
      %add3A_244 = arith.addi %mul3A_193, %mul3A_243 : i32
      %get3A_245 = arith.index_cast %add3A_244 : i32 to index
      %get3A_246 = tpu.vector_load %arg7[%get3A_245] {strides = array<i32>} : memref<12816xi32, #tpu.memory_space<vmem>>, vector<16xi32>,
      %gather3A_247 = tpu.vector_load_idx %arg6[%get3A_246] : memref<100000xf32, #tpu.memory_space<vmem>>[vector<16xi32>], vector<16xf32>,
      %add3A_248 = arith.addf %add3A_240, %gather3A_247 : vector<16xf32>
      %scan3A_249 = arith.constant 7 : i32
      %mul3A_250 = arith.constant 16 : i32
      %mul3A_251 = arith.muli %scan3A_249, %mul3A_250 : i32
      %add3A_252 = arith.addi %mul3A_193, %mul3A_251 : i32
      %get3A_253 = arith.index_cast %add3A_252 : i32 to index
      %get3A_254 = tpu.vector_load %arg7[%get3A_253] {strides = array<i32>} : memref<12816xi32, #tpu.memory_space<vmem>>, vector<16xi32>,
      %gather3A_255 = tpu.vector_load_idx %arg6[%get3A_254] : memref<100000xf32, #tpu.memory_space<vmem>>[vector<16xi32>], vector<16xf32>,
      %add3A_256 = arith.addf %add3A_248, %gather3A_255 : vector<16xf32>
      %scan3A_257 = arith.constant 8 : i32
      %mul3A_258 = arith.constant 16 : i32
      %mul3A_259 = arith.muli %scan3A_257, %mul3A_258 : i32
      %add3A_260 = arith.addi %mul3A_193, %mul3A_259 : i32
      %get3A_261 = arith.index_cast %add3A_260 : i32 to index
      %get3A_262 = tpu.vector_load %arg7[%get3A_261] {strides = array<i32>} : memref<12816xi32, #tpu.memory_space<vmem>>, vector<16xi32>,
      %gather3A_263 = tpu.vector_load_idx %arg6[%get3A_262] : memref<100000xf32, #tpu.memory_space<vmem>>[vector<16xi32>], vector<16xf32>,
      %add3A_264 = arith.addf %add3A_256, %gather3A_263 : vector<16xf32>
      %scan3A_265 = arith.constant 9 : i32
      %mul3A_266 = arith.constant 16 : i32
      %mul3A_267 = arith.muli %scan3A_265, %mul3A_266 : i32
      %add3A_268 = arith.addi %mul3A_193, %mul3A_267 : i32
      %get3A_269 = arith.index_cast %add3A_268 : i32 to index
      %get3A_270 = tpu.vector_load %arg7[%get3A_269] {strides = array<i32>} : memref<12816xi32, #tpu.memory_space<vmem>>, vector<16xi32>,
      %gather3A_271 = tpu.vector_load_idx %arg6[%get3A_270] : memref<100000xf32, #tpu.memory_space<vmem>>[vector<16xi32>], vector<16xf32>,
      %add3A_272 = arith.addf %add3A_264, %gather3A_271 : vector<16xf32>
      %scan3A_273 = arith.constant 10 : i32
      %mul3A_274 = arith.constant 16 : i32
      %mul3A_275 = arith.muli %scan3A_273, %mul3A_274 : i32
      %add3A_276 = arith.addi %mul3A_193, %mul3A_275 : i32
      %get3A_277 = arith.index_cast %add3A_276 : i32 to index
      %get3A_278 = tpu.vector_load %arg7[%get3A_277] {strides = array<i32>} : memref<12816xi32, #tpu.memory_space<vmem>>, vector<16xi32>,
      %gather3A_279 = tpu.vector_load_idx %arg6[%get3A_278] : memref<100000xf32, #tpu.memory_space<vmem>>[vector<16xi32>], vector<16xf32>,
      %add3A_280 = arith.addf %add3A_272, %gather3A_279 : vector<16xf32>
      %scan3A_281 = arith.constant 11 : i32
      %mul3A_282 = arith.constant 16 : i32
      %mul3A_283 = arith.muli %scan3A_281, %mul3A_282 : i32
      %add3A_284 = arith.addi %mul3A_193, %mul3A_283 : i32
      %get3A_285 = arith.index_cast %add3A_284 : i32 to index
      %get3A_286 = tpu.vector_load %arg7[%get3A_285] {strides = array<i32>} : memref<12816xi32, #tpu.memory_space<vmem>>, vector<16xi32>,
      %gather3A_287 = tpu.vector_load_idx %arg6[%get3A_286] : memref<100000xf32, #tpu.memory_space<vmem>>[vector<16xi32>], vector<16xf32>,
      %add3A_288 = arith.addf %add3A_280, %gather3A_287 : vector<16xf32>
      %scan3A_289 = arith.constant 12 : i32
      %add3A_290 = arith.constant 192 : i32
      %add3A_291 = arith.addi %mul3A_193, %add3A_290 : i32
      %get3A_292 = arith.index_cast %add3A_291 : i32 to index
      %get3A_293 = tpu.vector_load %arg7[%get3A_292] {strides = array<i32>} : memref<12816xi32, #tpu.memory_space<vmem>>, vector<16xi32>,
      %gather3A_294 = tpu.vector_load_idx %arg6[%get3A_293] masked %lt3A_5 : memref<100000xf32, #tpu.memory_space<vmem>>[vector<16xi32>], vector<16xf32>, vector<16xi1>
      %select_n3A = arith.select %lt3A_5, %gather3A_294, %broadcast_in_dim3A_8 : vector<16xi1>, vector<16xf32>
      %add3A_295 = arith.addf %add3A_288, %select_n3A : vector<16xf32>
      %broadcast_in_dim3A_296 = arith.constant true
      %broadcast_in_dim3A_297 = vector.broadcast %broadcast_in_dim3A_296 : i1 to vector<16xi1>
      %masked_cumsum3A = tpu.scan <sum>, %add3A_295 masked %broadcast_in_dim3A_297 : vector<16xf32>, vector<16xi1> -> vector<16xf32>
      %add3A_298 = arith.addf %masked_cumsum3A, %get3A_3 : vector<16xf32>
      %add3A_299 = arith.constant 128 : i32
      %add3A_300 = arith.addi %add3A_299, %scan3A_190 : i32
      %broadcast_in_dim3A_301 = vector.broadcast %add3A_300 : i32 to vector<16xi32>
      tpu.vector_store_idx %arg9[%broadcast_in_dim3A_301], %add3A_298 masked %eq3A_7 : memref<512xf32, #tpu.memory_space<vmem>>[vector<16xi32>], vector<16xf32>, vector<16xi1>
      %scan3A_302 = arith.constant 0 : i32
      scf.yield %scan3A_302 : i32
    }
    %scan3A_84 = arith.constant 64 : i32
    %add3A_85 = arith.constant 256 : i32
    %add3A_86 = arith.addi %mul3A_2, %add3A_85 : i32
    %mul3A_87 = arith.constant 200 : i32
    %mul3A_88 = arith.muli %add3A_86, %mul3A_87 : i32
    %dma_start3A_89 = arith.constant 0 : i32
    %dma_start3A_90 = tpu.memref_slice %arg7[%dma_start3A_89] : memref<12816xi32, #tpu.memory_space<vmem>> -> memref<12800xi32, #tpu.memory_space<vmem>>
    %dma_start3A_91 = tpu.memref_slice %arg3[%mul3A_88] : memref<3276800xi32, #tpu.memory_space<hbm>> -> memref<12800xi32, #tpu.memory_space<hbm>>
    %dma_start3A_92 = arith.constant 0 : i32
    %dma_start3A_93 = tpu.memref_slice %arg7[%dma_start3A_92] : memref<12816xi32, #tpu.memory_space<vmem>> -> memref<12800xi32, #tpu.memory_space<vmem>>
    %dma_start3A_94 = tpu.memref_slice %arg3[%mul3A_88] : memref<3276800xi32, #tpu.memory_space<hbm>> -> memref<12800xi32, #tpu.memory_space<hbm>>
    tpu.enqueue_dma source(%dma_start3A_94 : memref<12800xi32, #tpu.memory_space<hbm>>) target(%dma_start3A_93 : memref<12800xi32, #tpu.memory_space<vmem>>) target_semaphore(%arg12 : memref<!tpu.dma_semaphore, #tpu.memory_space<semaphore_mem>>)
    %dma_wait3A_95 = arith.constant 0 : i32
    %dma_wait3A_96 = tpu.memref_slice %arg8[%dma_wait3A_95] : memref<12816xi32, #tpu.memory_space<vmem>> -> memref<12800xi32, #tpu.memory_space<vmem>>
    %dma_wait3A_97 = tpu.memref_slice %arg3[%mul3A_65] : memref<3276800xi32, #tpu.memory_space<hbm>> -> memref<12800xi32, #tpu.memory_space<hbm>>
    %dma_wait3A_98 = arith.constant 0 : i32
    %dma_wait3A_99 = tpu.memref_slice %arg8[%dma_wait3A_98] : memref<12816xi32, #tpu.memory_space<vmem>> -> memref<12800xi32, #tpu.memory_space<vmem>>
    %dma_wait3A_100 = tpu.memref_slice %arg3[%mul3A_65] : memref<3276800xi32, #tpu.memory_space<hbm>> -> memref<12800xi32, #tpu.memory_space<hbm>>
    tpu.wait_dma2 semaphore(%arg13 : memref<!tpu.dma_semaphore, #tpu.memory_space<semaphore_mem>>) src(%dma_wait3A_100 : memref<12800xi32, #tpu.memory_space<hbm>>) dst(%dma_wait3A_99 : memref<12800xi32, #tpu.memory_space<vmem>>)
    %scan3A_101 = arith.constant 0 : i32
    %scan3A_102 = arith.constant 0 : i32
    %scan3A_103 = arith.constant 64 : i32
    %scan3A_104 = arith.addi %scan3A_102, %scan3A_103 : i32
    %scan3A_105 = arith.constant 1 : i32
    %scan3A_106 = scf.for %scan3A_190 = %scan3A_102 to %scan3A_104 step %scan3A_105 iter_args(%scan3A_191 = %scan3A_101) -> (i32)  : i32 {
      %mul3A_192 = arith.constant 200 : i32
      %mul3A_193 = arith.muli %scan3A_190, %mul3A_192 : i32
      %scan3A_194 = arith.constant 0 : i32
      %mul3A_195 = arith.constant 16 : i32
      %mul3A_196 = arith.muli %scan3A_194, %mul3A_195 : i32
      %add3A_197 = arith.addi %mul3A_193, %mul3A_196 : i32
      %get3A_198 = arith.index_cast %add3A_197 : i32 to index
      %get3A_199 = tpu.vector_load %arg8[%get3A_198] {strides = array<i32>} : memref<12816xi32, #tpu.memory_space<vmem>>, vector<16xi32>,
      %gather3A = tpu.vector_load_idx %arg6[%get3A_199] : memref<100000xf32, #tpu.memory_space<vmem>>[vector<16xi32>], vector<16xf32>,
      %add3A_200 = arith.addf %broadcast_in_dim3A_8, %gather3A : vector<16xf32>
      %scan3A_201 = arith.constant 1 : i32
      %mul3A_202 = arith.constant 16 : i32
      %mul3A_203 = arith.muli %scan3A_201, %mul3A_202 : i32
      %add3A_204 = arith.addi %mul3A_193, %mul3A_203 : i32
      %get3A_205 = arith.index_cast %add3A_204 : i32 to index
      %get3A_206 = tpu.vector_load %arg8[%get3A_205] {strides = array<i32>} : memref<12816xi32, #tpu.memory_space<vmem>>, vector<16xi32>,
      %gather3A_207 = tpu.vector_load_idx %arg6[%get3A_206] : memref<100000xf32, #tpu.memory_space<vmem>>[vector<16xi32>], vector<16xf32>,
      %add3A_208 = arith.addf %add3A_200, %gather3A_207 : vector<16xf32>
      %scan3A_209 = arith.constant 2 : i32
      %mul3A_210 = arith.constant 16 : i32
      %mul3A_211 = arith.muli %scan3A_209, %mul3A_210 : i32
      %add3A_212 = arith.addi %mul3A_193, %mul3A_211 : i32
      %get3A_213 = arith.index_cast %add3A_212 : i32 to index
      %get3A_214 = tpu.vector_load %arg8[%get3A_213] {strides = array<i32>} : memref<12816xi32, #tpu.memory_space<vmem>>, vector<16xi32>,
      %gather3A_215 = tpu.vector_load_idx %arg6[%get3A_214] : memref<100000xf32, #tpu.memory_space<vmem>>[vector<16xi32>], vector<16xf32>,
      %add3A_216 = arith.addf %add3A_208, %gather3A_215 : vector<16xf32>
      %scan3A_217 = arith.constant 3 : i32
      %mul3A_218 = arith.constant 16 : i32
      %mul3A_219 = arith.muli %scan3A_217, %mul3A_218 : i32
      %add3A_220 = arith.addi %mul3A_193, %mul3A_219 : i32
      %get3A_221 = arith.index_cast %add3A_220 : i32 to index
      %get3A_222 = tpu.vector_load %arg8[%get3A_221] {strides = array<i32>} : memref<12816xi32, #tpu.memory_space<vmem>>, vector<16xi32>,
      %gather3A_223 = tpu.vector_load_idx %arg6[%get3A_222] : memref<100000xf32, #tpu.memory_space<vmem>>[vector<16xi32>], vector<16xf32>,
      %add3A_224 = arith.addf %add3A_216, %gather3A_223 : vector<16xf32>
      %scan3A_225 = arith.constant 4 : i32
      %mul3A_226 = arith.constant 16 : i32
      %mul3A_227 = arith.muli %scan3A_225, %mul3A_226 : i32
      %add3A_228 = arith.addi %mul3A_193, %mul3A_227 : i32
      %get3A_229 = arith.index_cast %add3A_228 : i32 to index
      %get3A_230 = tpu.vector_load %arg8[%get3A_229] {strides = array<i32>} : memref<12816xi32, #tpu.memory_space<vmem>>, vector<16xi32>,
      %gather3A_231 = tpu.vector_load_idx %arg6[%get3A_230] : memref<100000xf32, #tpu.memory_space<vmem>>[vector<16xi32>], vector<16xf32>,
      %add3A_232 = arith.addf %add3A_224, %gather3A_231 : vector<16xf32>
      %scan3A_233 = arith.constant 5 : i32
      %mul3A_234 = arith.constant 16 : i32
      %mul3A_235 = arith.muli %scan3A_233, %mul3A_234 : i32
      %add3A_236 = arith.addi %mul3A_193, %mul3A_235 : i32
      %get3A_237 = arith.index_cast %add3A_236 : i32 to index
      %get3A_238 = tpu.vector_load %arg8[%get3A_237] {strides = array<i32>} : memref<12816xi32, #tpu.memory_space<vmem>>, vector<16xi32>,
      %gather3A_239 = tpu.vector_load_idx %arg6[%get3A_238] : memref<100000xf32, #tpu.memory_space<vmem>>[vector<16xi32>], vector<16xf32>,
      %add3A_240 = arith.addf %add3A_232, %gather3A_239 : vector<16xf32>
      %scan3A_241 = arith.constant 6 : i32
      %mul3A_242 = arith.constant 16 : i32
      %mul3A_243 = arith.muli %scan3A_241, %mul3A_242 : i32
      %add3A_244 = arith.addi %mul3A_193, %mul3A_243 : i32
      %get3A_245 = arith.index_cast %add3A_244 : i32 to index
      %get3A_246 = tpu.vector_load %arg8[%get3A_245] {strides = array<i32>} : memref<12816xi32, #tpu.memory_space<vmem>>, vector<16xi32>,
      %gather3A_247 = tpu.vector_load_idx %arg6[%get3A_246] : memref<100000xf32, #tpu.memory_space<vmem>>[vector<16xi32>], vector<16xf32>,
      %add3A_248 = arith.addf %add3A_240, %gather3A_247 : vector<16xf32>
      %scan3A_249 = arith.constant 7 : i32
      %mul3A_250 = arith.constant 16 : i32
      %mul3A_251 = arith.muli %scan3A_249, %mul3A_250 : i32
      %add3A_252 = arith.addi %mul3A_193, %mul3A_251 : i32
      %get3A_253 = arith.index_cast %add3A_252 : i32 to index
      %get3A_254 = tpu.vector_load %arg8[%get3A_253] {strides = array<i32>} : memref<12816xi32, #tpu.memory_space<vmem>>, vector<16xi32>,
      %gather3A_255 = tpu.vector_load_idx %arg6[%get3A_254] : memref<100000xf32, #tpu.memory_space<vmem>>[vector<16xi32>], vector<16xf32>,
      %add3A_256 = arith.addf %add3A_248, %gather3A_255 : vector<16xf32>
      %scan3A_257 = arith.constant 8 : i32
      %mul3A_258 = arith.constant 16 : i32
      %mul3A_259 = arith.muli %scan3A_257, %mul3A_258 : i32
      %add3A_260 = arith.addi %mul3A_193, %mul3A_259 : i32
      %get3A_261 = arith.index_cast %add3A_260 : i32 to index
      %get3A_262 = tpu.vector_load %arg8[%get3A_261] {strides = array<i32>} : memref<12816xi32, #tpu.memory_space<vmem>>, vector<16xi32>,
      %gather3A_263 = tpu.vector_load_idx %arg6[%get3A_262] : memref<100000xf32, #tpu.memory_space<vmem>>[vector<16xi32>], vector<16xf32>,
      %add3A_264 = arith.addf %add3A_256, %gather3A_263 : vector<16xf32>
      %scan3A_265 = arith.constant 9 : i32
      %mul3A_266 = arith.constant 16 : i32
      %mul3A_267 = arith.muli %scan3A_265, %mul3A_266 : i32
      %add3A_268 = arith.addi %mul3A_193, %mul3A_267 : i32
      %get3A_269 = arith.index_cast %add3A_268 : i32 to index
      %get3A_270 = tpu.vector_load %arg8[%get3A_269] {strides = array<i32>} : memref<12816xi32, #tpu.memory_space<vmem>>, vector<16xi32>,
      %gather3A_271 = tpu.vector_load_idx %arg6[%get3A_270] : memref<100000xf32, #tpu.memory_space<vmem>>[vector<16xi32>], vector<16xf32>,
      %add3A_272 = arith.addf %add3A_264, %gather3A_271 : vector<16xf32>
      %scan3A_273 = arith.constant 10 : i32
      %mul3A_274 = arith.constant 16 : i32
      %mul3A_275 = arith.muli %scan3A_273, %mul3A_274 : i32
      %add3A_276 = arith.addi %mul3A_193, %mul3A_275 : i32
      %get3A_277 = arith.index_cast %add3A_276 : i32 to index
      %get3A_278 = tpu.vector_load %arg8[%get3A_277] {strides = array<i32>} : memref<12816xi32, #tpu.memory_space<vmem>>, vector<16xi32>,
      %gather3A_279 = tpu.vector_load_idx %arg6[%get3A_278] : memref<100000xf32, #tpu.memory_space<vmem>>[vector<16xi32>], vector<16xf32>,
      %add3A_280 = arith.addf %add3A_272, %gather3A_279 : vector<16xf32>
      %scan3A_281 = arith.constant 11 : i32
      %mul3A_282 = arith.constant 16 : i32
      %mul3A_283 = arith.muli %scan3A_281, %mul3A_282 : i32
      %add3A_284 = arith.addi %mul3A_193, %mul3A_283 : i32
      %get3A_285 = arith.index_cast %add3A_284 : i32 to index
      %get3A_286 = tpu.vector_load %arg8[%get3A_285] {strides = array<i32>} : memref<12816xi32, #tpu.memory_space<vmem>>, vector<16xi32>,
      %gather3A_287 = tpu.vector_load_idx %arg6[%get3A_286] : memref<100000xf32, #tpu.memory_space<vmem>>[vector<16xi32>], vector<16xf32>,
      %add3A_288 = arith.addf %add3A_280, %gather3A_287 : vector<16xf32>
      %scan3A_289 = arith.constant 12 : i32
      %add3A_290 = arith.constant 192 : i32
      %add3A_291 = arith.addi %mul3A_193, %add3A_290 : i32
      %get3A_292 = arith.index_cast %add3A_291 : i32 to index
      %get3A_293 = tpu.vector_load %arg8[%get3A_292] {strides = array<i32>} : memref<12816xi32, #tpu.memory_space<vmem>>, vector<16xi32>,
      %gather3A_294 = tpu.vector_load_idx %arg6[%get3A_293] masked %lt3A_5 : memref<100000xf32, #tpu.memory_space<vmem>>[vector<16xi32>], vector<16xf32>, vector<16xi1>
      %select_n3A = arith.select %lt3A_5, %gather3A_294, %broadcast_in_dim3A_8 : vector<16xi1>, vector<16xf32>
      %add3A_295 = arith.addf %add3A_288, %select_n3A : vector<16xf32>
      %broadcast_in_dim3A_296 = arith.constant true
      %broadcast_in_dim3A_297 = vector.broadcast %broadcast_in_dim3A_296 : i1 to vector<16xi1>
      %masked_cumsum3A = tpu.scan <sum>, %add3A_295 masked %broadcast_in_dim3A_297 : vector<16xf32>, vector<16xi1> -> vector<16xf32>
      %add3A_298 = arith.addf %masked_cumsum3A, %get3A_3 : vector<16xf32>
      %add3A_299 = arith.constant 192 : i32
      %add3A_300 = arith.addi %add3A_299, %scan3A_190 : i32
      %broadcast_in_dim3A_301 = vector.broadcast %add3A_300 : i32 to vector<16xi32>
      tpu.vector_store_idx %arg9[%broadcast_in_dim3A_301], %add3A_298 masked %eq3A_7 : memref<512xf32, #tpu.memory_space<vmem>>[vector<16xi32>], vector<16xf32>, vector<16xi1>
      %scan3A_302 = arith.constant 0 : i32
      scf.yield %scan3A_302 : i32
    }
    %scan3A_107 = arith.constant 64 : i32
    %add3A_108 = arith.constant 320 : i32
    %add3A_109 = arith.addi %mul3A_2, %add3A_108 : i32
    %mul3A_110 = arith.constant 200 : i32
    %mul3A_111 = arith.muli %add3A_109, %mul3A_110 : i32
    %dma_start3A_112 = arith.constant 0 : i32
    %dma_start3A_113 = tpu.memref_slice %arg8[%dma_start3A_112] : memref<12816xi32, #tpu.memory_space<vmem>> -> memref<12800xi32, #tpu.memory_space<vmem>>
    %dma_start3A_114 = tpu.memref_slice %arg3[%mul3A_111] : memref<3276800xi32, #tpu.memory_space<hbm>> -> memref<12800xi32, #tpu.memory_space<hbm>>
    %dma_start3A_115 = arith.constant 0 : i32
    %dma_start3A_116 = tpu.memref_slice %arg8[%dma_start3A_115] : memref<12816xi32, #tpu.memory_space<vmem>> -> memref<12800xi32, #tpu.memory_space<vmem>>
    %dma_start3A_117 = tpu.memref_slice %arg3[%mul3A_111] : memref<3276800xi32, #tpu.memory_space<hbm>> -> memref<12800xi32, #tpu.memory_space<hbm>>
    tpu.enqueue_dma source(%dma_start3A_117 : memref<12800xi32, #tpu.memory_space<hbm>>) target(%dma_start3A_116 : memref<12800xi32, #tpu.memory_space<vmem>>) target_semaphore(%arg13 : memref<!tpu.dma_semaphore, #tpu.memory_space<semaphore_mem>>)
    %dma_wait3A_118 = arith.constant 0 : i32
    %dma_wait3A_119 = tpu.memref_slice %arg7[%dma_wait3A_118] : memref<12816xi32, #tpu.memory_space<vmem>> -> memref<12800xi32, #tpu.memory_space<vmem>>
    %dma_wait3A_120 = tpu.memref_slice %arg3[%mul3A_88] : memref<3276800xi32, #tpu.memory_space<hbm>> -> memref<12800xi32, #tpu.memory_space<hbm>>
    %dma_wait3A_121 = arith.constant 0 : i32
    %dma_wait3A_122 = tpu.memref_slice %arg7[%dma_wait3A_121] : memref<12816xi32, #tpu.memory_space<vmem>> -> memref<12800xi32, #tpu.memory_space<vmem>>
    %dma_wait3A_123 = tpu.memref_slice %arg3[%mul3A_88] : memref<3276800xi32, #tpu.memory_space<hbm>> -> memref<12800xi32, #tpu.memory_space<hbm>>
    tpu.wait_dma2 semaphore(%arg12 : memref<!tpu.dma_semaphore, #tpu.memory_space<semaphore_mem>>) src(%dma_wait3A_123 : memref<12800xi32, #tpu.memory_space<hbm>>) dst(%dma_wait3A_122 : memref<12800xi32, #tpu.memory_space<vmem>>)
    %scan3A_124 = arith.constant 0 : i32
    %scan3A_125 = arith.constant 0 : i32
    %scan3A_126 = arith.constant 64 : i32
    %scan3A_127 = arith.addi %scan3A_125, %scan3A_126 : i32
    %scan3A_128 = arith.constant 1 : i32
    %scan3A_129 = scf.for %scan3A_190 = %scan3A_125 to %scan3A_127 step %scan3A_128 iter_args(%scan3A_191 = %scan3A_124) -> (i32)  : i32 {
      %mul3A_192 = arith.constant 200 : i32
      %mul3A_193 = arith.muli %scan3A_190, %mul3A_192 : i32
      %scan3A_194 = arith.constant 0 : i32
      %mul3A_195 = arith.constant 16 : i32
      %mul3A_196 = arith.muli %scan3A_194, %mul3A_195 : i32
      %add3A_197 = arith.addi %mul3A_193, %mul3A_196 : i32
      %get3A_198 = arith.index_cast %add3A_197 : i32 to index
      %get3A_199 = tpu.vector_load %arg7[%get3A_198] {strides = array<i32>} : memref<12816xi32, #tpu.memory_space<vmem>>, vector<16xi32>,
      %gather3A = tpu.vector_load_idx %arg6[%get3A_199] : memref<100000xf32, #tpu.memory_space<vmem>>[vector<16xi32>], vector<16xf32>,
      %add3A_200 = arith.addf %broadcast_in_dim3A_8, %gather3A : vector<16xf32>
      %scan3A_201 = arith.constant 1 : i32
      %mul3A_202 = arith.constant 16 : i32
      %mul3A_203 = arith.muli %scan3A_201, %mul3A_202 : i32
      %add3A_204 = arith.addi %mul3A_193, %mul3A_203 : i32
      %get3A_205 = arith.index_cast %add3A_204 : i32 to index
      %get3A_206 = tpu.vector_load %arg7[%get3A_205] {strides = array<i32>} : memref<12816xi32, #tpu.memory_space<vmem>>, vector<16xi32>,
      %gather3A_207 = tpu.vector_load_idx %arg6[%get3A_206] : memref<100000xf32, #tpu.memory_space<vmem>>[vector<16xi32>], vector<16xf32>,
      %add3A_208 = arith.addf %add3A_200, %gather3A_207 : vector<16xf32>
      %scan3A_209 = arith.constant 2 : i32
      %mul3A_210 = arith.constant 16 : i32
      %mul3A_211 = arith.muli %scan3A_209, %mul3A_210 : i32
      %add3A_212 = arith.addi %mul3A_193, %mul3A_211 : i32
      %get3A_213 = arith.index_cast %add3A_212 : i32 to index
      %get3A_214 = tpu.vector_load %arg7[%get3A_213] {strides = array<i32>} : memref<12816xi32, #tpu.memory_space<vmem>>, vector<16xi32>,
      %gather3A_215 = tpu.vector_load_idx %arg6[%get3A_214] : memref<100000xf32, #tpu.memory_space<vmem>>[vector<16xi32>], vector<16xf32>,
      %add3A_216 = arith.addf %add3A_208, %gather3A_215 : vector<16xf32>
      %scan3A_217 = arith.constant 3 : i32
      %mul3A_218 = arith.constant 16 : i32
      %mul3A_219 = arith.muli %scan3A_217, %mul3A_218 : i32
      %add3A_220 = arith.addi %mul3A_193, %mul3A_219 : i32
      %get3A_221 = arith.index_cast %add3A_220 : i32 to index
      %get3A_222 = tpu.vector_load %arg7[%get3A_221] {strides = array<i32>} : memref<12816xi32, #tpu.memory_space<vmem>>, vector<16xi32>,
      %gather3A_223 = tpu.vector_load_idx %arg6[%get3A_222] : memref<100000xf32, #tpu.memory_space<vmem>>[vector<16xi32>], vector<16xf32>,
      %add3A_224 = arith.addf %add3A_216, %gather3A_223 : vector<16xf32>
      %scan3A_225 = arith.constant 4 : i32
      %mul3A_226 = arith.constant 16 : i32
      %mul3A_227 = arith.muli %scan3A_225, %mul3A_226 : i32
      %add3A_228 = arith.addi %mul3A_193, %mul3A_227 : i32
      %get3A_229 = arith.index_cast %add3A_228 : i32 to index
      %get3A_230 = tpu.vector_load %arg7[%get3A_229] {strides = array<i32>} : memref<12816xi32, #tpu.memory_space<vmem>>, vector<16xi32>,
      %gather3A_231 = tpu.vector_load_idx %arg6[%get3A_230] : memref<100000xf32, #tpu.memory_space<vmem>>[vector<16xi32>], vector<16xf32>,
      %add3A_232 = arith.addf %add3A_224, %gather3A_231 : vector<16xf32>
      %scan3A_233 = arith.constant 5 : i32
      %mul3A_234 = arith.constant 16 : i32
      %mul3A_235 = arith.muli %scan3A_233, %mul3A_234 : i32
      %add3A_236 = arith.addi %mul3A_193, %mul3A_235 : i32
      %get3A_237 = arith.index_cast %add3A_236 : i32 to index
      %get3A_238 = tpu.vector_load %arg7[%get3A_237] {strides = array<i32>} : memref<12816xi32, #tpu.memory_space<vmem>>, vector<16xi32>,
      %gather3A_239 = tpu.vector_load_idx %arg6[%get3A_238] : memref<100000xf32, #tpu.memory_space<vmem>>[vector<16xi32>], vector<16xf32>,
      %add3A_240 = arith.addf %add3A_232, %gather3A_239 : vector<16xf32>
      %scan3A_241 = arith.constant 6 : i32
      %mul3A_242 = arith.constant 16 : i32
      %mul3A_243 = arith.muli %scan3A_241, %mul3A_242 : i32
      %add3A_244 = arith.addi %mul3A_193, %mul3A_243 : i32
      %get3A_245 = arith.index_cast %add3A_244 : i32 to index
      %get3A_246 = tpu.vector_load %arg7[%get3A_245] {strides = array<i32>} : memref<12816xi32, #tpu.memory_space<vmem>>, vector<16xi32>,
      %gather3A_247 = tpu.vector_load_idx %arg6[%get3A_246] : memref<100000xf32, #tpu.memory_space<vmem>>[vector<16xi32>], vector<16xf32>,
      %add3A_248 = arith.addf %add3A_240, %gather3A_247 : vector<16xf32>
      %scan3A_249 = arith.constant 7 : i32
      %mul3A_250 = arith.constant 16 : i32
      %mul3A_251 = arith.muli %scan3A_249, %mul3A_250 : i32
      %add3A_252 = arith.addi %mul3A_193, %mul3A_251 : i32
      %get3A_253 = arith.index_cast %add3A_252 : i32 to index
      %get3A_254 = tpu.vector_load %arg7[%get3A_253] {strides = array<i32>} : memref<12816xi32, #tpu.memory_space<vmem>>, vector<16xi32>,
      %gather3A_255 = tpu.vector_load_idx %arg6[%get3A_254] : memref<100000xf32, #tpu.memory_space<vmem>>[vector<16xi32>], vector<16xf32>,
      %add3A_256 = arith.addf %add3A_248, %gather3A_255 : vector<16xf32>
      %scan3A_257 = arith.constant 8 : i32
      %mul3A_258 = arith.constant 16 : i32
      %mul3A_259 = arith.muli %scan3A_257, %mul3A_258 : i32
      %add3A_260 = arith.addi %mul3A_193, %mul3A_259 : i32
      %get3A_261 = arith.index_cast %add3A_260 : i32 to index
      %get3A_262 = tpu.vector_load %arg7[%get3A_261] {strides = array<i32>} : memref<12816xi32, #tpu.memory_space<vmem>>, vector<16xi32>,
      %gather3A_263 = tpu.vector_load_idx %arg6[%get3A_262] : memref<100000xf32, #tpu.memory_space<vmem>>[vector<16xi32>], vector<16xf32>,
      %add3A_264 = arith.addf %add3A_256, %gather3A_263 : vector<16xf32>
      %scan3A_265 = arith.constant 9 : i32
      %mul3A_266 = arith.constant 16 : i32
      %mul3A_267 = arith.muli %scan3A_265, %mul3A_266 : i32
      %add3A_268 = arith.addi %mul3A_193, %mul3A_267 : i32
      %get3A_269 = arith.index_cast %add3A_268 : i32 to index
      %get3A_270 = tpu.vector_load %arg7[%get3A_269] {strides = array<i32>} : memref<12816xi32, #tpu.memory_space<vmem>>, vector<16xi32>,
      %gather3A_271 = tpu.vector_load_idx %arg6[%get3A_270] : memref<100000xf32, #tpu.memory_space<vmem>>[vector<16xi32>], vector<16xf32>,
      %add3A_272 = arith.addf %add3A_264, %gather3A_271 : vector<16xf32>
      %scan3A_273 = arith.constant 10 : i32
      %mul3A_274 = arith.constant 16 : i32
      %mul3A_275 = arith.muli %scan3A_273, %mul3A_274 : i32
      %add3A_276 = arith.addi %mul3A_193, %mul3A_275 : i32
      %get3A_277 = arith.index_cast %add3A_276 : i32 to index
      %get3A_278 = tpu.vector_load %arg7[%get3A_277] {strides = array<i32>} : memref<12816xi32, #tpu.memory_space<vmem>>, vector<16xi32>,
      %gather3A_279 = tpu.vector_load_idx %arg6[%get3A_278] : memref<100000xf32, #tpu.memory_space<vmem>>[vector<16xi32>], vector<16xf32>,
      %add3A_280 = arith.addf %add3A_272, %gather3A_279 : vector<16xf32>
      %scan3A_281 = arith.constant 11 : i32
      %mul3A_282 = arith.constant 16 : i32
      %mul3A_283 = arith.muli %scan3A_281, %mul3A_282 : i32
      %add3A_284 = arith.addi %mul3A_193, %mul3A_283 : i32
      %get3A_285 = arith.index_cast %add3A_284 : i32 to index
      %get3A_286 = tpu.vector_load %arg7[%get3A_285] {strides = array<i32>} : memref<12816xi32, #tpu.memory_space<vmem>>, vector<16xi32>,
      %gather3A_287 = tpu.vector_load_idx %arg6[%get3A_286] : memref<100000xf32, #tpu.memory_space<vmem>>[vector<16xi32>], vector<16xf32>,
      %add3A_288 = arith.addf %add3A_280, %gather3A_287 : vector<16xf32>
      %scan3A_289 = arith.constant 12 : i32
      %add3A_290 = arith.constant 192 : i32
      %add3A_291 = arith.addi %mul3A_193, %add3A_290 : i32
      %get3A_292 = arith.index_cast %add3A_291 : i32 to index
      %get3A_293 = tpu.vector_load %arg7[%get3A_292] {strides = array<i32>} : memref<12816xi32, #tpu.memory_space<vmem>>, vector<16xi32>,
      %gather3A_294 = tpu.vector_load_idx %arg6[%get3A_293] masked %lt3A_5 : memref<100000xf32, #tpu.memory_space<vmem>>[vector<16xi32>], vector<16xf32>, vector<16xi1>
      %select_n3A = arith.select %lt3A_5, %gather3A_294, %broadcast_in_dim3A_8 : vector<16xi1>, vector<16xf32>
      %add3A_295 = arith.addf %add3A_288, %select_n3A : vector<16xf32>
      %broadcast_in_dim3A_296 = arith.constant true
      %broadcast_in_dim3A_297 = vector.broadcast %broadcast_in_dim3A_296 : i1 to vector<16xi1>
      %masked_cumsum3A = tpu.scan <sum>, %add3A_295 masked %broadcast_in_dim3A_297 : vector<16xf32>, vector<16xi1> -> vector<16xf32>
      %add3A_298 = arith.addf %masked_cumsum3A, %get3A_3 : vector<16xf32>
      %add3A_299 = arith.constant 256 : i32
      %add3A_300 = arith.addi %add3A_299, %scan3A_190 : i32
      %broadcast_in_dim3A_301 = vector.broadcast %add3A_300 : i32 to vector<16xi32>
      tpu.vector_store_idx %arg9[%broadcast_in_dim3A_301], %add3A_298 masked %eq3A_7 : memref<512xf32, #tpu.memory_space<vmem>>[vector<16xi32>], vector<16xf32>, vector<16xi1>
      %scan3A_302 = arith.constant 0 : i32
      scf.yield %scan3A_302 : i32
    }
    %scan3A_130 = arith.constant 64 : i32
    %add3A_131 = arith.constant 384 : i32
    %add3A_132 = arith.addi %mul3A_2, %add3A_131 : i32
    %mul3A_133 = arith.constant 200 : i32
    %mul3A_134 = arith.muli %add3A_132, %mul3A_133 : i32
    %dma_start3A_135 = arith.constant 0 : i32
    %dma_start3A_136 = tpu.memref_slice %arg7[%dma_start3A_135] : memref<12816xi32, #tpu.memory_space<vmem>> -> memref<12800xi32, #tpu.memory_space<vmem>>
    %dma_start3A_137 = tpu.memref_slice %arg3[%mul3A_134] : memref<3276800xi32, #tpu.memory_space<hbm>> -> memref<12800xi32, #tpu.memory_space<hbm>>
    %dma_start3A_138 = arith.constant 0 : i32
    %dma_start3A_139 = tpu.memref_slice %arg7[%dma_start3A_138] : memref<12816xi32, #tpu.memory_space<vmem>> -> memref<12800xi32, #tpu.memory_space<vmem>>
    %dma_start3A_140 = tpu.memref_slice %arg3[%mul3A_134] : memref<3276800xi32, #tpu.memory_space<hbm>> -> memref<12800xi32, #tpu.memory_space<hbm>>
    tpu.enqueue_dma source(%dma_start3A_140 : memref<12800xi32, #tpu.memory_space<hbm>>) target(%dma_start3A_139 : memref<12800xi32, #tpu.memory_space<vmem>>) target_semaphore(%arg12 : memref<!tpu.dma_semaphore, #tpu.memory_space<semaphore_mem>>)
    %dma_wait3A_141 = arith.constant 0 : i32
    %dma_wait3A_142 = tpu.memref_slice %arg8[%dma_wait3A_141] : memref<12816xi32, #tpu.memory_space<vmem>> -> memref<12800xi32, #tpu.memory_space<vmem>>
    %dma_wait3A_143 = tpu.memref_slice %arg3[%mul3A_111] : memref<3276800xi32, #tpu.memory_space<hbm>> -> memref<12800xi32, #tpu.memory_space<hbm>>
    %dma_wait3A_144 = arith.constant 0 : i32
    %dma_wait3A_145 = tpu.memref_slice %arg8[%dma_wait3A_144] : memref<12816xi32, #tpu.memory_space<vmem>> -> memref<12800xi32, #tpu.memory_space<vmem>>
    %dma_wait3A_146 = tpu.memref_slice %arg3[%mul3A_111] : memref<3276800xi32, #tpu.memory_space<hbm>> -> memref<12800xi32, #tpu.memory_space<hbm>>
    tpu.wait_dma2 semaphore(%arg13 : memref<!tpu.dma_semaphore, #tpu.memory_space<semaphore_mem>>) src(%dma_wait3A_146 : memref<12800xi32, #tpu.memory_space<hbm>>) dst(%dma_wait3A_145 : memref<12800xi32, #tpu.memory_space<vmem>>)
    %scan3A_147 = arith.constant 0 : i32
    %scan3A_148 = arith.constant 0 : i32
    %scan3A_149 = arith.constant 64 : i32
    %scan3A_150 = arith.addi %scan3A_148, %scan3A_149 : i32
    %scan3A_151 = arith.constant 1 : i32
    %scan3A_152 = scf.for %scan3A_190 = %scan3A_148 to %scan3A_150 step %scan3A_151 iter_args(%scan3A_191 = %scan3A_147) -> (i32)  : i32 {
      %mul3A_192 = arith.constant 200 : i32
      %mul3A_193 = arith.muli %scan3A_190, %mul3A_192 : i32
      %scan3A_194 = arith.constant 0 : i32
      %mul3A_195 = arith.constant 16 : i32
      %mul3A_196 = arith.muli %scan3A_194, %mul3A_195 : i32
      %add3A_197 = arith.addi %mul3A_193, %mul3A_196 : i32
      %get3A_198 = arith.index_cast %add3A_197 : i32 to index
      %get3A_199 = tpu.vector_load %arg8[%get3A_198] {strides = array<i32>} : memref<12816xi32, #tpu.memory_space<vmem>>, vector<16xi32>,
      %gather3A = tpu.vector_load_idx %arg6[%get3A_199] : memref<100000xf32, #tpu.memory_space<vmem>>[vector<16xi32>], vector<16xf32>,
      %add3A_200 = arith.addf %broadcast_in_dim3A_8, %gather3A : vector<16xf32>
      %scan3A_201 = arith.constant 1 : i32
      %mul3A_202 = arith.constant 16 : i32
      %mul3A_203 = arith.muli %scan3A_201, %mul3A_202 : i32
      %add3A_204 = arith.addi %mul3A_193, %mul3A_203 : i32
      %get3A_205 = arith.index_cast %add3A_204 : i32 to index
      %get3A_206 = tpu.vector_load %arg8[%get3A_205] {strides = array<i32>} : memref<12816xi32, #tpu.memory_space<vmem>>, vector<16xi32>,
      %gather3A_207 = tpu.vector_load_idx %arg6[%get3A_206] : memref<100000xf32, #tpu.memory_space<vmem>>[vector<16xi32>], vector<16xf32>,
      %add3A_208 = arith.addf %add3A_200, %gather3A_207 : vector<16xf32>
      %scan3A_209 = arith.constant 2 : i32
      %mul3A_210 = arith.constant 16 : i32
      %mul3A_211 = arith.muli %scan3A_209, %mul3A_210 : i32
      %add3A_212 = arith.addi %mul3A_193, %mul3A_211 : i32
      %get3A_213 = arith.index_cast %add3A_212 : i32 to index
      %get3A_214 = tpu.vector_load %arg8[%get3A_213] {strides = array<i32>} : memref<12816xi32, #tpu.memory_space<vmem>>, vector<16xi32>,
      %gather3A_215 = tpu.vector_load_idx %arg6[%get3A_214] : memref<100000xf32, #tpu.memory_space<vmem>>[vector<16xi32>], vector<16xf32>,
      %add3A_216 = arith.addf %add3A_208, %gather3A_215 : vector<16xf32>
      %scan3A_217 = arith.constant 3 : i32
      %mul3A_218 = arith.constant 16 : i32
      %mul3A_219 = arith.muli %scan3A_217, %mul3A_218 : i32
      %add3A_220 = arith.addi %mul3A_193, %mul3A_219 : i32
      %get3A_221 = arith.index_cast %add3A_220 : i32 to index
      %get3A_222 = tpu.vector_load %arg8[%get3A_221] {strides = array<i32>} : memref<12816xi32, #tpu.memory_space<vmem>>, vector<16xi32>,
      %gather3A_223 = tpu.vector_load_idx %arg6[%get3A_222] : memref<100000xf32, #tpu.memory_space<vmem>>[vector<16xi32>], vector<16xf32>,
      %add3A_224 = arith.addf %add3A_216, %gather3A_223 : vector<16xf32>
      %scan3A_225 = arith.constant 4 : i32
      %mul3A_226 = arith.constant 16 : i32
      %mul3A_227 = arith.muli %scan3A_225, %mul3A_226 : i32
      %add3A_228 = arith.addi %mul3A_193, %mul3A_227 : i32
      %get3A_229 = arith.index_cast %add3A_228 : i32 to index
      %get3A_230 = tpu.vector_load %arg8[%get3A_229] {strides = array<i32>} : memref<12816xi32, #tpu.memory_space<vmem>>, vector<16xi32>,
      %gather3A_231 = tpu.vector_load_idx %arg6[%get3A_230] : memref<100000xf32, #tpu.memory_space<vmem>>[vector<16xi32>], vector<16xf32>,
      %add3A_232 = arith.addf %add3A_224, %gather3A_231 : vector<16xf32>
      %scan3A_233 = arith.constant 5 : i32
      %mul3A_234 = arith.constant 16 : i32
      %mul3A_235 = arith.muli %scan3A_233, %mul3A_234 : i32
      %add3A_236 = arith.addi %mul3A_193, %mul3A_235 : i32
      %get3A_237 = arith.index_cast %add3A_236 : i32 to index
      %get3A_238 = tpu.vector_load %arg8[%get3A_237] {strides = array<i32>} : memref<12816xi32, #tpu.memory_space<vmem>>, vector<16xi32>,
      %gather3A_239 = tpu.vector_load_idx %arg6[%get3A_238] : memref<100000xf32, #tpu.memory_space<vmem>>[vector<16xi32>], vector<16xf32>,
      %add3A_240 = arith.addf %add3A_232, %gather3A_239 : vector<16xf32>
      %scan3A_241 = arith.constant 6 : i32
      %mul3A_242 = arith.constant 16 : i32
      %mul3A_243 = arith.muli %scan3A_241, %mul3A_242 : i32
      %add3A_244 = arith.addi %mul3A_193, %mul3A_243 : i32
      %get3A_245 = arith.index_cast %add3A_244 : i32 to index
      %get3A_246 = tpu.vector_load %arg8[%get3A_245] {strides = array<i32>} : memref<12816xi32, #tpu.memory_space<vmem>>, vector<16xi32>,
      %gather3A_247 = tpu.vector_load_idx %arg6[%get3A_246] : memref<100000xf32, #tpu.memory_space<vmem>>[vector<16xi32>], vector<16xf32>,
      %add3A_248 = arith.addf %add3A_240, %gather3A_247 : vector<16xf32>
      %scan3A_249 = arith.constant 7 : i32
      %mul3A_250 = arith.constant 16 : i32
      %mul3A_251 = arith.muli %scan3A_249, %mul3A_250 : i32
      %add3A_252 = arith.addi %mul3A_193, %mul3A_251 : i32
      %get3A_253 = arith.index_cast %add3A_252 : i32 to index
      %get3A_254 = tpu.vector_load %arg8[%get3A_253] {strides = array<i32>} : memref<12816xi32, #tpu.memory_space<vmem>>, vector<16xi32>,
      %gather3A_255 = tpu.vector_load_idx %arg6[%get3A_254] : memref<100000xf32, #tpu.memory_space<vmem>>[vector<16xi32>], vector<16xf32>,
      %add3A_256 = arith.addf %add3A_248, %gather3A_255 : vector<16xf32>
      %scan3A_257 = arith.constant 8 : i32
      %mul3A_258 = arith.constant 16 : i32
      %mul3A_259 = arith.muli %scan3A_257, %mul3A_258 : i32
      %add3A_260 = arith.addi %mul3A_193, %mul3A_259 : i32
      %get3A_261 = arith.index_cast %add3A_260 : i32 to index
      %get3A_262 = tpu.vector_load %arg8[%get3A_261] {strides = array<i32>} : memref<12816xi32, #tpu.memory_space<vmem>>, vector<16xi32>,
      %gather3A_263 = tpu.vector_load_idx %arg6[%get3A_262] : memref<100000xf32, #tpu.memory_space<vmem>>[vector<16xi32>], vector<16xf32>,
      %add3A_264 = arith.addf %add3A_256, %gather3A_263 : vector<16xf32>
      %scan3A_265 = arith.constant 9 : i32
      %mul3A_266 = arith.constant 16 : i32
      %mul3A_267 = arith.muli %scan3A_265, %mul3A_266 : i32
      %add3A_268 = arith.addi %mul3A_193, %mul3A_267 : i32
      %get3A_269 = arith.index_cast %add3A_268 : i32 to index
      %get3A_270 = tpu.vector_load %arg8[%get3A_269] {strides = array<i32>} : memref<12816xi32, #tpu.memory_space<vmem>>, vector<16xi32>,
      %gather3A_271 = tpu.vector_load_idx %arg6[%get3A_270] : memref<100000xf32, #tpu.memory_space<vmem>>[vector<16xi32>], vector<16xf32>,
      %add3A_272 = arith.addf %add3A_264, %gather3A_271 : vector<16xf32>
      %scan3A_273 = arith.constant 10 : i32
      %mul3A_274 = arith.constant 16 : i32
      %mul3A_275 = arith.muli %scan3A_273, %mul3A_274 : i32
      %add3A_276 = arith.addi %mul3A_193, %mul3A_275 : i32
      %get3A_277 = arith.index_cast %add3A_276 : i32 to index
      %get3A_278 = tpu.vector_load %arg8[%get3A_277] {strides = array<i32>} : memref<12816xi32, #tpu.memory_space<vmem>>, vector<16xi32>,
      %gather3A_279 = tpu.vector_load_idx %arg6[%get3A_278] : memref<100000xf32, #tpu.memory_space<vmem>>[vector<16xi32>], vector<16xf32>,
      %add3A_280 = arith.addf %add3A_272, %gather3A_279 : vector<16xf32>
      %scan3A_281 = arith.constant 11 : i32
      %mul3A_282 = arith.constant 16 : i32
      %mul3A_283 = arith.muli %scan3A_281, %mul3A_282 : i32
      %add3A_284 = arith.addi %mul3A_193, %mul3A_283 : i32
      %get3A_285 = arith.index_cast %add3A_284 : i32 to index
      %get3A_286 = tpu.vector_load %arg8[%get3A_285] {strides = array<i32>} : memref<12816xi32, #tpu.memory_space<vmem>>, vector<16xi32>,
      %gather3A_287 = tpu.vector_load_idx %arg6[%get3A_286] : memref<100000xf32, #tpu.memory_space<vmem>>[vector<16xi32>], vector<16xf32>,
      %add3A_288 = arith.addf %add3A_280, %gather3A_287 : vector<16xf32>
      %scan3A_289 = arith.constant 12 : i32
      %add3A_290 = arith.constant 192 : i32
      %add3A_291 = arith.addi %mul3A_193, %add3A_290 : i32
      %get3A_292 = arith.index_cast %add3A_291 : i32 to index
      %get3A_293 = tpu.vector_load %arg8[%get3A_292] {strides = array<i32>} : memref<12816xi32, #tpu.memory_space<vmem>>, vector<16xi32>,
      %gather3A_294 = tpu.vector_load_idx %arg6[%get3A_293] masked %lt3A_5 : memref<100000xf32, #tpu.memory_space<vmem>>[vector<16xi32>], vector<16xf32>, vector<16xi1>
      %select_n3A = arith.select %lt3A_5, %gather3A_294, %broadcast_in_dim3A_8 : vector<16xi1>, vector<16xf32>
      %add3A_295 = arith.addf %add3A_288, %select_n3A : vector<16xf32>
      %broadcast_in_dim3A_296 = arith.constant true
      %broadcast_in_dim3A_297 = vector.broadcast %broadcast_in_dim3A_296 : i1 to vector<16xi1>
      %masked_cumsum3A = tpu.scan <sum>, %add3A_295 masked %broadcast_in_dim3A_297 : vector<16xf32>, vector<16xi1> -> vector<16xf32>
      %add3A_298 = arith.addf %masked_cumsum3A, %get3A_3 : vector<16xf32>
      %add3A_299 = arith.constant 320 : i32
      %add3A_300 = arith.addi %add3A_299, %scan3A_190 : i32
      %broadcast_in_dim3A_301 = vector.broadcast %add3A_300 : i32 to vector<16xi32>
      tpu.vector_store_idx %arg9[%broadcast_in_dim3A_301], %add3A_298 masked %eq3A_7 : memref<512xf32, #tpu.memory_space<vmem>>[vector<16xi32>], vector<16xf32>, vector<16xi1>
      %scan3A_302 = arith.constant 0 : i32
      scf.yield %scan3A_302 : i32
    }
    %scan3A_153 = arith.constant 64 : i32
    %add3A_154 = arith.constant 448 : i32
    %add3A_155 = arith.addi %mul3A_2, %add3A_154 : i32
    %mul3A_156 = arith.constant 200 : i32
    %mul3A_157 = arith.muli %add3A_155, %mul3A_156 : i32
    %dma_start3A_158 = arith.constant 0 : i32
    %dma_start3A_159 = tpu.memref_slice %arg8[%dma_start3A_158] : memref<12816xi32, #tpu.memory_space<vmem>> -> memref<12800xi32, #tpu.memory_space<vmem>>
    %dma_start3A_160 = tpu.memref_slice %arg3[%mul3A_157] : memref<3276800xi32, #tpu.memory_space<hbm>> -> memref<12800xi32, #tpu.memory_space<hbm>>
    %dma_start3A_161 = arith.constant 0 : i32
    %dma_start3A_162 = tpu.memref_slice %arg8[%dma_start3A_161] : memref<12816xi32, #tpu.memory_space<vmem>> -> memref<12800xi32, #tpu.memory_space<vmem>>
    %dma_start3A_163 = tpu.memref_slice %arg3[%mul3A_157] : memref<3276800xi32, #tpu.memory_space<hbm>> -> memref<12800xi32, #tpu.memory_space<hbm>>
    tpu.enqueue_dma source(%dma_start3A_163 : memref<12800xi32, #tpu.memory_space<hbm>>) target(%dma_start3A_162 : memref<12800xi32, #tpu.memory_space<vmem>>) target_semaphore(%arg13 : memref<!tpu.dma_semaphore, #tpu.memory_space<semaphore_mem>>)
    %dma_wait3A_164 = arith.constant 0 : i32
    %dma_wait3A_165 = tpu.memref_slice %arg7[%dma_wait3A_164] : memref<12816xi32, #tpu.memory_space<vmem>> -> memref<12800xi32, #tpu.memory_space<vmem>>
    %dma_wait3A_166 = tpu.memref_slice %arg3[%mul3A_134] : memref<3276800xi32, #tpu.memory_space<hbm>> -> memref<12800xi32, #tpu.memory_space<hbm>>
    %dma_wait3A_167 = arith.constant 0 : i32
    %dma_wait3A_168 = tpu.memref_slice %arg7[%dma_wait3A_167] : memref<12816xi32, #tpu.memory_space<vmem>> -> memref<12800xi32, #tpu.memory_space<vmem>>
    %dma_wait3A_169 = tpu.memref_slice %arg3[%mul3A_134] : memref<3276800xi32, #tpu.memory_space<hbm>> -> memref<12800xi32, #tpu.memory_space<hbm>>
    tpu.wait_dma2 semaphore(%arg12 : memref<!tpu.dma_semaphore, #tpu.memory_space<semaphore_mem>>) src(%dma_wait3A_169 : memref<12800xi32, #tpu.memory_space<hbm>>) dst(%dma_wait3A_168 : memref<12800xi32, #tpu.memory_space<vmem>>)
    %scan3A_170 = arith.constant 0 : i32
    %scan3A_171 = arith.constant 0 : i32
    %scan3A_172 = arith.constant 64 : i32
    %scan3A_173 = arith.addi %scan3A_171, %scan3A_172 : i32
    %scan3A_174 = arith.constant 1 : i32
    %scan3A_175 = scf.for %scan3A_190 = %scan3A_171 to %scan3A_173 step %scan3A_174 iter_args(%scan3A_191 = %scan3A_170) -> (i32)  : i32 {
      %mul3A_192 = arith.constant 200 : i32
      %mul3A_193 = arith.muli %scan3A_190, %mul3A_192 : i32
      %scan3A_194 = arith.constant 0 : i32
      %mul3A_195 = arith.constant 16 : i32
      %mul3A_196 = arith.muli %scan3A_194, %mul3A_195 : i32
      %add3A_197 = arith.addi %mul3A_193, %mul3A_196 : i32
      %get3A_198 = arith.index_cast %add3A_197 : i32 to index
      %get3A_199 = tpu.vector_load %arg7[%get3A_198] {strides = array<i32>} : memref<12816xi32, #tpu.memory_space<vmem>>, vector<16xi32>,
      %gather3A = tpu.vector_load_idx %arg6[%get3A_199] : memref<100000xf32, #tpu.memory_space<vmem>>[vector<16xi32>], vector<16xf32>,
      %add3A_200 = arith.addf %broadcast_in_dim3A_8, %gather3A : vector<16xf32>
      %scan3A_201 = arith.constant 1 : i32
      %mul3A_202 = arith.constant 16 : i32
      %mul3A_203 = arith.muli %scan3A_201, %mul3A_202 : i32
      %add3A_204 = arith.addi %mul3A_193, %mul3A_203 : i32
      %get3A_205 = arith.index_cast %add3A_204 : i32 to index
      %get3A_206 = tpu.vector_load %arg7[%get3A_205] {strides = array<i32>} : memref<12816xi32, #tpu.memory_space<vmem>>, vector<16xi32>,
      %gather3A_207 = tpu.vector_load_idx %arg6[%get3A_206] : memref<100000xf32, #tpu.memory_space<vmem>>[vector<16xi32>], vector<16xf32>,
      %add3A_208 = arith.addf %add3A_200, %gather3A_207 : vector<16xf32>
      %scan3A_209 = arith.constant 2 : i32
      %mul3A_210 = arith.constant 16 : i32
      %mul3A_211 = arith.muli %scan3A_209, %mul3A_210 : i32
      %add3A_212 = arith.addi %mul3A_193, %mul3A_211 : i32
      %get3A_213 = arith.index_cast %add3A_212 : i32 to index
      %get3A_214 = tpu.vector_load %arg7[%get3A_213] {strides = array<i32>} : memref<12816xi32, #tpu.memory_space<vmem>>, vector<16xi32>,
      %gather3A_215 = tpu.vector_load_idx %arg6[%get3A_214] : memref<100000xf32, #tpu.memory_space<vmem>>[vector<16xi32>], vector<16xf32>,
      %add3A_216 = arith.addf %add3A_208, %gather3A_215 : vector<16xf32>
      %scan3A_217 = arith.constant 3 : i32
      %mul3A_218 = arith.constant 16 : i32
      %mul3A_219 = arith.muli %scan3A_217, %mul3A_218 : i32
      %add3A_220 = arith.addi %mul3A_193, %mul3A_219 : i32
      %get3A_221 = arith.index_cast %add3A_220 : i32 to index
      %get3A_222 = tpu.vector_load %arg7[%get3A_221] {strides = array<i32>} : memref<12816xi32, #tpu.memory_space<vmem>>, vector<16xi32>,
      %gather3A_223 = tpu.vector_load_idx %arg6[%get3A_222] : memref<100000xf32, #tpu.memory_space<vmem>>[vector<16xi32>], vector<16xf32>,
      %add3A_224 = arith.addf %add3A_216, %gather3A_223 : vector<16xf32>
      %scan3A_225 = arith.constant 4 : i32
      %mul3A_226 = arith.constant 16 : i32
      %mul3A_227 = arith.muli %scan3A_225, %mul3A_226 : i32
      %add3A_228 = arith.addi %mul3A_193, %mul3A_227 : i32
      %get3A_229 = arith.index_cast %add3A_228 : i32 to index
      %get3A_230 = tpu.vector_load %arg7[%get3A_229] {strides = array<i32>} : memref<12816xi32, #tpu.memory_space<vmem>>, vector<16xi32>,
      %gather3A_231 = tpu.vector_load_idx %arg6[%get3A_230] : memref<100000xf32, #tpu.memory_space<vmem>>[vector<16xi32>], vector<16xf32>,
      %add3A_232 = arith.addf %add3A_224, %gather3A_231 : vector<16xf32>
      %scan3A_233 = arith.constant 5 : i32
      %mul3A_234 = arith.constant 16 : i32
      %mul3A_235 = arith.muli %scan3A_233, %mul3A_234 : i32
      %add3A_236 = arith.addi %mul3A_193, %mul3A_235 : i32
      %get3A_237 = arith.index_cast %add3A_236 : i32 to index
      %get3A_238 = tpu.vector_load %arg7[%get3A_237] {strides = array<i32>} : memref<12816xi32, #tpu.memory_space<vmem>>, vector<16xi32>,
      %gather3A_239 = tpu.vector_load_idx %arg6[%get3A_238] : memref<100000xf32, #tpu.memory_space<vmem>>[vector<16xi32>], vector<16xf32>,
      %add3A_240 = arith.addf %add3A_232, %gather3A_239 : vector<16xf32>
      %scan3A_241 = arith.constant 6 : i32
      %mul3A_242 = arith.constant 16 : i32
      %mul3A_243 = arith.muli %scan3A_241, %mul3A_242 : i32
      %add3A_244 = arith.addi %mul3A_193, %mul3A_243 : i32
      %get3A_245 = arith.index_cast %add3A_244 : i32 to index
      %get3A_246 = tpu.vector_load %arg7[%get3A_245] {strides = array<i32>} : memref<12816xi32, #tpu.memory_space<vmem>>, vector<16xi32>,
      %gather3A_247 = tpu.vector_load_idx %arg6[%get3A_246] : memref<100000xf32, #tpu.memory_space<vmem>>[vector<16xi32>], vector<16xf32>,
      %add3A_248 = arith.addf %add3A_240, %gather3A_247 : vector<16xf32>
      %scan3A_249 = arith.constant 7 : i32
      %mul3A_250 = arith.constant 16 : i32
      %mul3A_251 = arith.muli %scan3A_249, %mul3A_250 : i32
      %add3A_252 = arith.addi %mul3A_193, %mul3A_251 : i32
      %get3A_253 = arith.index_cast %add3A_252 : i32 to index
      %get3A_254 = tpu.vector_load %arg7[%get3A_253] {strides = array<i32>} : memref<12816xi32, #tpu.memory_space<vmem>>, vector<16xi32>,
      %gather3A_255 = tpu.vector_load_idx %arg6[%get3A_254] : memref<100000xf32, #tpu.memory_space<vmem>>[vector<16xi32>], vector<16xf32>,
      %add3A_256 = arith.addf %add3A_248, %gather3A_255 : vector<16xf32>
      %scan3A_257 = arith.constant 8 : i32
      %mul3A_258 = arith.constant 16 : i32
      %mul3A_259 = arith.muli %scan3A_257, %mul3A_258 : i32
      %add3A_260 = arith.addi %mul3A_193, %mul3A_259 : i32
      %get3A_261 = arith.index_cast %add3A_260 : i32 to index
      %get3A_262 = tpu.vector_load %arg7[%get3A_261] {strides = array<i32>} : memref<12816xi32, #tpu.memory_space<vmem>>, vector<16xi32>,
      %gather3A_263 = tpu.vector_load_idx %arg6[%get3A_262] : memref<100000xf32, #tpu.memory_space<vmem>>[vector<16xi32>], vector<16xf32>,
      %add3A_264 = arith.addf %add3A_256, %gather3A_263 : vector<16xf32>
      %scan3A_265 = arith.constant 9 : i32
      %mul3A_266 = arith.constant 16 : i32
      %mul3A_267 = arith.muli %scan3A_265, %mul3A_266 : i32
      %add3A_268 = arith.addi %mul3A_193, %mul3A_267 : i32
      %get3A_269 = arith.index_cast %add3A_268 : i32 to index
      %get3A_270 = tpu.vector_load %arg7[%get3A_269] {strides = array<i32>} : memref<12816xi32, #tpu.memory_space<vmem>>, vector<16xi32>,
      %gather3A_271 = tpu.vector_load_idx %arg6[%get3A_270] : memref<100000xf32, #tpu.memory_space<vmem>>[vector<16xi32>], vector<16xf32>,
      %add3A_272 = arith.addf %add3A_264, %gather3A_271 : vector<16xf32>
      %scan3A_273 = arith.constant 10 : i32
      %mul3A_274 = arith.constant 16 : i32
      %mul3A_275 = arith.muli %scan3A_273, %mul3A_274 : i32
      %add3A_276 = arith.addi %mul3A_193, %mul3A_275 : i32
      %get3A_277 = arith.index_cast %add3A_276 : i32 to index
      %get3A_278 = tpu.vector_load %arg7[%get3A_277] {strides = array<i32>} : memref<12816xi32, #tpu.memory_space<vmem>>, vector<16xi32>,
      %gather3A_279 = tpu.vector_load_idx %arg6[%get3A_278] : memref<100000xf32, #tpu.memory_space<vmem>>[vector<16xi32>], vector<16xf32>,
      %add3A_280 = arith.addf %add3A_272, %gather3A_279 : vector<16xf32>
      %scan3A_281 = arith.constant 11 : i32
      %mul3A_282 = arith.constant 16 : i32
      %mul3A_283 = arith.muli %scan3A_281, %mul3A_282 : i32
      %add3A_284 = arith.addi %mul3A_193, %mul3A_283 : i32
      %get3A_285 = arith.index_cast %add3A_284 : i32 to index
      %get3A_286 = tpu.vector_load %arg7[%get3A_285] {strides = array<i32>} : memref<12816xi32, #tpu.memory_space<vmem>>, vector<16xi32>,
      %gather3A_287 = tpu.vector_load_idx %arg6[%get3A_286] : memref<100000xf32, #tpu.memory_space<vmem>>[vector<16xi32>], vector<16xf32>,
      %add3A_288 = arith.addf %add3A_280, %gather3A_287 : vector<16xf32>
      %scan3A_289 = arith.constant 12 : i32
      %add3A_290 = arith.constant 192 : i32
      %add3A_291 = arith.addi %mul3A_193, %add3A_290 : i32
      %get3A_292 = arith.index_cast %add3A_291 : i32 to index
      %get3A_293 = tpu.vector_load %arg7[%get3A_292] {strides = array<i32>} : memref<12816xi32, #tpu.memory_space<vmem>>, vector<16xi32>,
      %gather3A_294 = tpu.vector_load_idx %arg6[%get3A_293] masked %lt3A_5 : memref<100000xf32, #tpu.memory_space<vmem>>[vector<16xi32>], vector<16xf32>, vector<16xi1>
      %select_n3A = arith.select %lt3A_5, %gather3A_294, %broadcast_in_dim3A_8 : vector<16xi1>, vector<16xf32>
      %add3A_295 = arith.addf %add3A_288, %select_n3A : vector<16xf32>
      %broadcast_in_dim3A_296 = arith.constant true
      %broadcast_in_dim3A_297 = vector.broadcast %broadcast_in_dim3A_296 : i1 to vector<16xi1>
      %masked_cumsum3A = tpu.scan <sum>, %add3A_295 masked %broadcast_in_dim3A_297 : vector<16xf32>, vector<16xi1> -> vector<16xf32>
      %add3A_298 = arith.addf %masked_cumsum3A, %get3A_3 : vector<16xf32>
      %add3A_299 = arith.constant 384 : i32
      %add3A_300 = arith.addi %add3A_299, %scan3A_190 : i32
      %broadcast_in_dim3A_301 = vector.broadcast %add3A_300 : i32 to vector<16xi32>
      tpu.vector_store_idx %arg9[%broadcast_in_dim3A_301], %add3A_298 masked %eq3A_7 : memref<512xf32, #tpu.memory_space<vmem>>[vector<16xi32>], vector<16xf32>, vector<16xi1>
      %scan3A_302 = arith.constant 0 : i32
      scf.yield %scan3A_302 : i32
    }
    %scan3A_176 = arith.constant 64 : i32
    %dma_wait3A_177 = arith.constant 0 : i32
    %dma_wait3A_178 = tpu.memref_slice %arg8[%dma_wait3A_177] : memref<12816xi32, #tpu.memory_space<vmem>> -> memref<12800xi32, #tpu.memory_space<vmem>>
    %dma_wait3A_179 = tpu.memref_slice %arg3[%mul3A_157] : memref<3276800xi32, #tpu.memory_space<hbm>> -> memref<12800xi32, #tpu.memory_space<hbm>>
    %dma_wait3A_180 = arith.constant 0 : i32
    %dma_wait3A_181 = tpu.memref_slice %arg8[%dma_wait3A_180] : memref<12816xi32, #tpu.memory_space<vmem>> -> memref<12800xi32, #tpu.memory_space<vmem>>
    %dma_wait3A_182 = tpu.memref_slice %arg3[%mul3A_157] : memref<3276800xi32, #tpu.memory_space<hbm>> -> memref<12800xi32, #tpu.memory_space<hbm>>
    tpu.wait_dma2 semaphore(%arg13 : memref<!tpu.dma_semaphore, #tpu.memory_space<semaphore_mem>>) src(%dma_wait3A_182 : memref<12800xi32, #tpu.memory_space<hbm>>) dst(%dma_wait3A_181 : memref<12800xi32, #tpu.memory_space<vmem>>)
    %scan3A_183 = arith.constant 0 : i32
    %scan3A_184 = arith.constant 0 : i32
    %scan3A_185 = arith.constant 64 : i32
    %scan3A_186 = arith.addi %scan3A_184, %scan3A_185 : i32
    %scan3A_187 = arith.constant 1 : i32
    %scan3A_188 = scf.for %scan3A_190 = %scan3A_184 to %scan3A_186 step %scan3A_187 iter_args(%scan3A_191 = %scan3A_183) -> (i32)  : i32 {
      %mul3A_192 = arith.constant 200 : i32
      %mul3A_193 = arith.muli %scan3A_190, %mul3A_192 : i32
      %scan3A_194 = arith.constant 0 : i32
      %mul3A_195 = arith.constant 16 : i32
      %mul3A_196 = arith.muli %scan3A_194, %mul3A_195 : i32
      %add3A_197 = arith.addi %mul3A_193, %mul3A_196 : i32
      %get3A_198 = arith.index_cast %add3A_197 : i32 to index
      %get3A_199 = tpu.vector_load %arg8[%get3A_198] {strides = array<i32>} : memref<12816xi32, #tpu.memory_space<vmem>>, vector<16xi32>,
      %gather3A = tpu.vector_load_idx %arg6[%get3A_199] : memref<100000xf32, #tpu.memory_space<vmem>>[vector<16xi32>], vector<16xf32>,
      %add3A_200 = arith.addf %broadcast_in_dim3A_8, %gather3A : vector<16xf32>
      %scan3A_201 = arith.constant 1 : i32
      %mul3A_202 = arith.constant 16 : i32
      %mul3A_203 = arith.muli %scan3A_201, %mul3A_202 : i32
      %add3A_204 = arith.addi %mul3A_193, %mul3A_203 : i32
      %get3A_205 = arith.index_cast %add3A_204 : i32 to index
      %get3A_206 = tpu.vector_load %arg8[%get3A_205] {strides = array<i32>} : memref<12816xi32, #tpu.memory_space<vmem>>, vector<16xi32>,
      %gather3A_207 = tpu.vector_load_idx %arg6[%get3A_206] : memref<100000xf32, #tpu.memory_space<vmem>>[vector<16xi32>], vector<16xf32>,
      %add3A_208 = arith.addf %add3A_200, %gather3A_207 : vector<16xf32>
      %scan3A_209 = arith.constant 2 : i32
      %mul3A_210 = arith.constant 16 : i32
      %mul3A_211 = arith.muli %scan3A_209, %mul3A_210 : i32
      %add3A_212 = arith.addi %mul3A_193, %mul3A_211 : i32
      %get3A_213 = arith.index_cast %add3A_212 : i32 to index
      %get3A_214 = tpu.vector_load %arg8[%get3A_213] {strides = array<i32>} : memref<12816xi32, #tpu.memory_space<vmem>>, vector<16xi32>,
      %gather3A_215 = tpu.vector_load_idx %arg6[%get3A_214] : memref<100000xf32, #tpu.memory_space<vmem>>[vector<16xi32>], vector<16xf32>,
      %add3A_216 = arith.addf %add3A_208, %gather3A_215 : vector<16xf32>
      %scan3A_217 = arith.constant 3 : i32
      %mul3A_218 = arith.constant 16 : i32
      %mul3A_219 = arith.muli %scan3A_217, %mul3A_218 : i32
      %add3A_220 = arith.addi %mul3A_193, %mul3A_219 : i32
      %get3A_221 = arith.index_cast %add3A_220 : i32 to index
      %get3A_222 = tpu.vector_load %arg8[%get3A_221] {strides = array<i32>} : memref<12816xi32, #tpu.memory_space<vmem>>, vector<16xi32>,
      %gather3A_223 = tpu.vector_load_idx %arg6[%get3A_222] : memref<100000xf32, #tpu.memory_space<vmem>>[vector<16xi32>], vector<16xf32>,
      %add3A_224 = arith.addf %add3A_216, %gather3A_223 : vector<16xf32>
      %scan3A_225 = arith.constant 4 : i32
      %mul3A_226 = arith.constant 16 : i32
      %mul3A_227 = arith.muli %scan3A_225, %mul3A_226 : i32
      %add3A_228 = arith.addi %mul3A_193, %mul3A_227 : i32
      %get3A_229 = arith.index_cast %add3A_228 : i32 to index
      %get3A_230 = tpu.vector_load %arg8[%get3A_229] {strides = array<i32>} : memref<12816xi32, #tpu.memory_space<vmem>>, vector<16xi32>,
      %gather3A_231 = tpu.vector_load_idx %arg6[%get3A_230] : memref<100000xf32, #tpu.memory_space<vmem>>[vector<16xi32>], vector<16xf32>,
      %add3A_232 = arith.addf %add3A_224, %gather3A_231 : vector<16xf32>
      %scan3A_233 = arith.constant 5 : i32
      %mul3A_234 = arith.constant 16 : i32
      %mul3A_235 = arith.muli %scan3A_233, %mul3A_234 : i32
      %add3A_236 = arith.addi %mul3A_193, %mul3A_235 : i32
      %get3A_237 = arith.index_cast %add3A_236 : i32 to index
      %get3A_238 = tpu.vector_load %arg8[%get3A_237] {strides = array<i32>} : memref<12816xi32, #tpu.memory_space<vmem>>, vector<16xi32>,
      %gather3A_239 = tpu.vector_load_idx %arg6[%get3A_238] : memref<100000xf32, #tpu.memory_space<vmem>>[vector<16xi32>], vector<16xf32>,
      %add3A_240 = arith.addf %add3A_232, %gather3A_239 : vector<16xf32>
      %scan3A_241 = arith.constant 6 : i32
      %mul3A_242 = arith.constant 16 : i32
      %mul3A_243 = arith.muli %scan3A_241, %mul3A_242 : i32
      %add3A_244 = arith.addi %mul3A_193, %mul3A_243 : i32
      %get3A_245 = arith.index_cast %add3A_244 : i32 to index
      %get3A_246 = tpu.vector_load %arg8[%get3A_245] {strides = array<i32>} : memref<12816xi32, #tpu.memory_space<vmem>>, vector<16xi32>,
      %gather3A_247 = tpu.vector_load_idx %arg6[%get3A_246] : memref<100000xf32, #tpu.memory_space<vmem>>[vector<16xi32>], vector<16xf32>,
      %add3A_248 = arith.addf %add3A_240, %gather3A_247 : vector<16xf32>
      %scan3A_249 = arith.constant 7 : i32
      %mul3A_250 = arith.constant 16 : i32
      %mul3A_251 = arith.muli %scan3A_249, %mul3A_250 : i32
      %add3A_252 = arith.addi %mul3A_193, %mul3A_251 : i32
      %get3A_253 = arith.index_cast %add3A_252 : i32 to index
      %get3A_254 = tpu.vector_load %arg8[%get3A_253] {strides = array<i32>} : memref<12816xi32, #tpu.memory_space<vmem>>, vector<16xi32>,
      %gather3A_255 = tpu.vector_load_idx %arg6[%get3A_254] : memref<100000xf32, #tpu.memory_space<vmem>>[vector<16xi32>], vector<16xf32>,
      %add3A_256 = arith.addf %add3A_248, %gather3A_255 : vector<16xf32>
      %scan3A_257 = arith.constant 8 : i32
      %mul3A_258 = arith.constant 16 : i32
      %mul3A_259 = arith.muli %scan3A_257, %mul3A_258 : i32
      %add3A_260 = arith.addi %mul3A_193, %mul3A_259 : i32
      %get3A_261 = arith.index_cast %add3A_260 : i32 to index
      %get3A_262 = tpu.vector_load %arg8[%get3A_261] {strides = array<i32>} : memref<12816xi32, #tpu.memory_space<vmem>>, vector<16xi32>,
      %gather3A_263 = tpu.vector_load_idx %arg6[%get3A_262] : memref<100000xf32, #tpu.memory_space<vmem>>[vector<16xi32>], vector<16xf32>,
      %add3A_264 = arith.addf %add3A_256, %gather3A_263 : vector<16xf32>
      %scan3A_265 = arith.constant 9 : i32
      %mul3A_266 = arith.constant 16 : i32
      %mul3A_267 = arith.muli %scan3A_265, %mul3A_266 : i32
      %add3A_268 = arith.addi %mul3A_193, %mul3A_267 : i32
      %get3A_269 = arith.index_cast %add3A_268 : i32 to index
      %get3A_270 = tpu.vector_load %arg8[%get3A_269] {strides = array<i32>} : memref<12816xi32, #tpu.memory_space<vmem>>, vector<16xi32>,
      %gather3A_271 = tpu.vector_load_idx %arg6[%get3A_270] : memref<100000xf32, #tpu.memory_space<vmem>>[vector<16xi32>], vector<16xf32>,
      %add3A_272 = arith.addf %add3A_264, %gather3A_271 : vector<16xf32>
      %scan3A_273 = arith.constant 10 : i32
      %mul3A_274 = arith.constant 16 : i32
      %mul3A_275 = arith.muli %scan3A_273, %mul3A_274 : i32
      %add3A_276 = arith.addi %mul3A_193, %mul3A_275 : i32
      %get3A_277 = arith.index_cast %add3A_276 : i32 to index
      %get3A_278 = tpu.vector_load %arg8[%get3A_277] {strides = array<i32>} : memref<12816xi32, #tpu.memory_space<vmem>>, vector<16xi32>,
      %gather3A_279 = tpu.vector_load_idx %arg6[%get3A_278] : memref<100000xf32, #tpu.memory_space<vmem>>[vector<16xi32>], vector<16xf32>,
      %add3A_280 = arith.addf %add3A_272, %gather3A_279 : vector<16xf32>
      %scan3A_281 = arith.constant 11 : i32
      %mul3A_282 = arith.constant 16 : i32
      %mul3A_283 = arith.muli %scan3A_281, %mul3A_282 : i32
      %add3A_284 = arith.addi %mul3A_193, %mul3A_283 : i32
      %get3A_285 = arith.index_cast %add3A_284 : i32 to index
      %get3A_286 = tpu.vector_load %arg8[%get3A_285] {strides = array<i32>} : memref<12816xi32, #tpu.memory_space<vmem>>, vector<16xi32>,
      %gather3A_287 = tpu.vector_load_idx %arg6[%get3A_286] : memref<100000xf32, #tpu.memory_space<vmem>>[vector<16xi32>], vector<16xf32>,
      %add3A_288 = arith.addf %add3A_280, %gather3A_287 : vector<16xf32>
      %scan3A_289 = arith.constant 12 : i32
      %add3A_290 = arith.constant 192 : i32
      %add3A_291 = arith.addi %mul3A_193, %add3A_290 : i32
      %get3A_292 = arith.index_cast %add3A_291 : i32 to index
      %get3A_293 = tpu.vector_load %arg8[%get3A_292] {strides = array<i32>} : memref<12816xi32, #tpu.memory_space<vmem>>, vector<16xi32>,
      %gather3A_294 = tpu.vector_load_idx %arg6[%get3A_293] masked %lt3A_5 : memref<100000xf32, #tpu.memory_space<vmem>>[vector<16xi32>], vector<16xf32>, vector<16xi1>
      %select_n3A = arith.select %lt3A_5, %gather3A_294, %broadcast_in_dim3A_8 : vector<16xi1>, vector<16xf32>
      %add3A_295 = arith.addf %add3A_288, %select_n3A : vector<16xf32>
      %broadcast_in_dim3A_296 = arith.constant true
      %broadcast_in_dim3A_297 = vector.broadcast %broadcast_in_dim3A_296 : i1 to vector<16xi1>
      %masked_cumsum3A = tpu.scan <sum>, %add3A_295 masked %broadcast_in_dim3A_297 : vector<16xf32>, vector<16xi1> -> vector<16xf32>
      %add3A_298 = arith.addf %masked_cumsum3A, %get3A_3 : vector<16xf32>
      %add3A_299 = arith.constant 448 : i32
      %add3A_300 = arith.addi %add3A_299, %scan3A_190 : i32
      %broadcast_in_dim3A_301 = vector.broadcast %add3A_300 : i32 to vector<16xi32>
      tpu.vector_store_idx %arg9[%broadcast_in_dim3A_301], %add3A_298 masked %eq3A_7 : memref<512xf32, #tpu.memory_space<vmem>>[vector<16xi32>], vector<16xf32>, vector<16xi1>
      %scan3A_302 = arith.constant 0 : i32
      scf.yield %scan3A_302 : i32
    }
    %scan3A_189 = arith.constant 64 : i32
    "tpu.region"() ({
      %run_scoped3A = tpu.sem_alloc : memref<!tpu.dma_semaphore, #tpu.memory_space<semaphore_mem>>
      %dma_start3A_190 = tpu.memref_slice %arg5[%mul3A_2] : memref<16384xf32, #tpu.memory_space<hbm>> -> memref<512xf32, #tpu.memory_space<hbm>>
      %dma_start3A_191 = tpu.memref_slice %arg5[%mul3A_2] : memref<16384xf32, #tpu.memory_space<hbm>> -> memref<512xf32, #tpu.memory_space<hbm>>
      tpu.enqueue_dma source(%arg9 : memref<512xf32, #tpu.memory_space<vmem>>) target(%dma_start3A_191 : memref<512xf32, #tpu.memory_space<hbm>>) target_semaphore(%run_scoped3A : memref<!tpu.dma_semaphore, #tpu.memory_space<semaphore_mem>>)
      %dma_wait3A_192 = tpu.memref_slice %arg5[%mul3A_2] : memref<16384xf32, #tpu.memory_space<hbm>> -> memref<512xf32, #tpu.memory_space<hbm>>
      %dma_wait3A_193 = tpu.memref_slice %arg5[%mul3A_2] : memref<16384xf32, #tpu.memory_space<hbm>> -> memref<512xf32, #tpu.memory_space<hbm>>
      tpu.wait_dma2 semaphore(%run_scoped3A : memref<!tpu.dma_semaphore, #tpu.memory_space<semaphore_mem>>) src(%arg9 : memref<512xf32, #tpu.memory_space<vmem>>) dst(%dma_wait3A_193 : memref<512xf32, #tpu.memory_space<hbm>>)
      tpu.yield
    }) : () -> ()
    return
  }
}

</mosaic_0001>

<sc_bundles>
// kernel: kernel.3.cloned.1.call-start
scs
__scs_entry_jumppad:
0x0: {  	(pc) =	sbr.rel $0x88, $3  }
0x1: {  	(tag) =	ssettag $0x0;
	lr =	simm.s32 $0x1  }
0x2: {  	[smem:$0x3F9E] =	sst lr;
	_ =	strace $0xD0000000  }
0x3: {  	_ = 	snop  }
0x4: {  	_ = 	snop  }
0x5: {  	_ = 	snop  }
0x6: {  	_ = 	snop  }
0x7: {  	_ = 	snop  }
__scs_overlays_trampoline_lowered:
0x8: {  	[smem:$0x3FAD] =	sst s0  }
0x9: {  	[smem:$0x3FAE] =	sst s1  }
0xa: {  	[smem:$0x3FAF] =	sst s2  }
0xb: {  	[smem:$0x3FB0] =	sst s3  }
0xc: {  	[smem:$0x3FB1] =	sst s4  }
0xd: {  	[smem:$0x3FB2] =	sst s5  }
0xe: {  	[smem:$0x3FB3] =	sst s6  }
0xf: {  	[smem:$0x3FB4] =	sst s7  }
0x10: {  	[smem:$0x3FB5] =	sst s8  }
0x11: {  	[smem:$0x3FB6] =	sst s9;
	s0 =	simm.s32 @!p0 $0x0  }
0x12: {  	s1 =	sld [smem:$0x3F9C];
	s0 =	simm.s32 @p0 $0x1  }
0x13: {  	[smem:$0x3FB7] =	sst s0;
	s0 =	simm.s32 @!p1 $0x0  }
0x14: {  	s2 =	sld [smem:$0x3F9B];
	s0 =	simm.s32 @p1 $0x1  }
0x15: {  	[smem:$0x3FB8] =	sst s0;
	s0 =	simm.s32 @!p2 $0x0  }
0x16: {  	s3 =	sld [smem:$0x3FDB];
	s0 =	simm.s32 @p2 $0x1  }
0x17: {  	s4 =	simm.s32 $0x1BF5;
	[smem:$0x3FBA] =	sst s0  }
0x18: {  	s0 =	sld [smem:$0x3F9D];
	_ =	swait.ge [sflag:s4], $0x0  }
0x19: {  	s7 =	sld [smem:$0x3F9E]  }
0x1a: {  	s8 =	sadd.s32 $0xFFFFE003, lr  }
0x1b: {  	s9 =	sadd.s32 $0xFFFFFEF7, lr;
	s5 =	simm.s32 $0xFFFFFFFF;
	p2 =	slt.u32 s8, $0xFFFFF086  }
0x1c: {  	p1 =	slt.u32 s9, $0xF7A;
	s5 =	simm.s32 @!p2 $0x0  }
0x1d: {  	s5 =	simm.s32 @p1 $0x1;
	p0 =	seq.s32 s7, s2  }
0x1e: {  	s7 =	smul.u32 @!p0 $0xF7A, s2;
	p2 =	seq.s32 @!p0 s5, $0x0  }
0x1f: {  	s9 =	smul.u32 $0xF7A, s1;
	s8 =	simm.s32 @!p0 $0x1BF5;
	p2 =	por !p2, p0  }
0x20: {  	[sflag:s8] =	ssyncset.s32 @!p0 $0xFFFFF086;
	s6 =	sadd.s32 @!p0 s3, s7;
	s7 =	simm.s32 @!p0 $0x108  }
0x21: {  	s3 =	sadd.s32 s3, s9;
	s6 =	sadd.s32 @!p0 $0x88, s6;
	s7 =	simm.s32 @p2 $0x1082  }
0x22: {  	[simem:s7], [sflag:s8] =	dma.local @!p0 [hbm:s6], $0xF7A  }
0x23: {  	s9 =	sor.u32 $0xD0000000, s2;
	s6 =	simm.s32 $0x108;
	_ =	swait.ge @!p0 [sflag:s8], $0x0  }
0x24: {  	s3 =	sadd.s32 $0x88, s3;
	s6 =	simm.s32 @!p1 $0x1082;
	[sflag:s4] =	ssyncset.s32 $0xFFFFF086  }
0x25: {  	[simem:s6], [sflag:s4] =	dma.local [hbm:s3], $0xF7A  }
0x26: {  	[smem:$0x3F9E] =	sst s1;
	(tag) =	ssettag s2;
	_ =	strace s9  }
0x27: {  	s1 =	sld [smem:$0x3FAE]  }
0x28: {  	s2 =	sld [smem:$0x3FAF]  }
0x29: {  	s4 =	sld [smem:$0x3FB1]  }
0x2a: {  	p0 =	seq.s32 s5, $0x0;
	s5 =	sld [smem:$0x3FB2]  }
0x2b: {  	s6 =	sld [smem:$0x3FB3]  }
0x2c: {  	s7 =	sld [smem:$0x3FB4]  }
0x2d: {  	s3 =	simm.s32 $0x108;
	s8 =	sld [smem:$0x3FB5]  }
0x2e: {  	s3 =	simm.s32 @!p0 $0x1082;
	s9 =	sld [smem:$0x3FB6]  }
0x2f: {  	lr =	sadd.s32 s0, s3;
	s0 =	sld [smem:$0x3FAD]  }
0x30: {  	s3 =	sld [smem:$0x3FB0]  }
0x31: {  	[smem:$0x3FB9] =	sst s10  }
0x32: {  	s10 =	sld [smem:$0x3FB7];
	_ =	sdelay $0x3  }
0x33: {  	p0 =	seq.s32 s10, $0x1;
	s10 =	sld [smem:$0x3FB9];
	_ =	sdelay $0x3  }
0x34: {  	[smem:$0x3FB9] =	sst s10  }
0x35: {  	s10 =	sld [smem:$0x3FB8];
	_ =	sdelay $0x3  }
0x36: {  	p1 =	seq.s32 s10, $0x1;
	s10 =	sld [smem:$0x3FB9];
	_ =	sdelay $0x3  }
0x37: {  	[smem:$0x3FB9] =	sst s10  }
0x38: {  	s10 =	sld [smem:$0x3FBA]  }
0x39: {  	_ = 	snop;
	(pc) =	sbr.ind lr, $3  }
0x3a: {  	_ = 	snop  }
0x3b: {  	_ = 	snop  }
0x3c: {  	p2 =	seq.s32 s10, $0x1;
	s10 =	sld [smem:$0x3FB9]  }
0x3d: {  	_ =	shalt  }
0x3e: {  	_ =	shalt  }
0x3f: {  	_ =	shalt  }
0x40: {  	_ =	shalt  }
0x41: {  	_ =	shalt  }
0x42: {  	_ =	shalt  }
0x43: {  	_ =	shalt  }
0x44: {  	_ =	shalt  }
0x45: {  	_ =	shalt  }
0x46: {  	_ =	shalt  }
0x47: {  	_ =	shalt  }
0x48: {  	_ =	shalt  }
0x49: {  	_ =	shalt  }
0x4a: {  	_ =	shalt  }
0x4b: {  	_ =	shalt  }
0x4c: {  	_ =	shalt  }
0x4d: {  	_ =	shalt  }
0x4e: {  	_ =	shalt  }
0x4f: {  	_ =	shalt  }
0x50: {  	_ =	shalt  }
0x51: {  	_ =	shalt  }
0x52: {  	_ =	shalt  }
0x53: {  	_ =	shalt  }
0x54: {  	_ =	shalt  }
0x55: {  	_ =	shalt  }
0x56: {  	_ =	shalt  }
0x57: {  	_ =	shalt  }
0x58: {  	_ =	shalt  }
0x59: {  	_ =	shalt  }
0x5a: {  	_ =	shalt  }
0x5b: {  	_ =	shalt  }
0x5c: {  	_ =	shalt  }
0x5d: {  	_ =	shalt  }
0x5e: {  	_ =	shalt  }
0x5f: {  	_ =	shalt  }
0x60: {  	_ =	shalt  }
0x61: {  	_ =	shalt  }
0x62: {  	_ =	shalt  }
0x63: {  	_ =	shalt  }
0x64: {  	_ =	shalt  }
0x65: {  	_ =	shalt  }
0x66: {  	_ =	shalt  }
0x67: {  	_ =	shalt  }
0x68: {  	_ =	shalt  }
0x69: {  	_ =	shalt  }
0x6a: {  	_ =	shalt  }
0x6b: {  	_ =	shalt  }
0x6c: {  	_ =	shalt  }
0x6d: {  	_ =	shalt  }
0x6e: {  	_ =	shalt  }
0x6f: {  	_ =	shalt  }
0x70: {  	_ =	shalt  }
0x71: {  	_ =	shalt  }
0x72: {  	_ =	shalt  }
0x73: {  	_ =	shalt  }
0x74: {  	_ =	shalt  }
0x75: {  	_ =	shalt  }
0x76: {  	_ =	shalt  }
0x77: {  	_ =	shalt  }
0x78: {  	_ =	shalt  }
0x79: {  	_ =	shalt  }
0x7a: {  	_ =	shalt  }
0x7b: {  	_ =	shalt  }
0x7c: {  	_ =	shalt  }
0x7d: {  	_ =	shalt  }
0x7e: {  	_ =	shalt  }
0x7f: {  	_ =	shalt  }
0x80: {  	_ =	shalt  }
0x81: {  	_ =	shalt  }
0x82: {  	_ =	shalt  }
0x83: {  	_ =	shalt  }
0x84: {  	_ =	shalt  }
0x85: {  	_ =	shalt  }
0x86: {  	_ =	shalt  }
0x87: {  	_ =	shalt  }
.Lfunc_end0:
.L_simem_size_0:
called_computation_lowered:
.L_overlay_start_0:
0x88: {  	s2 =	sld [smem:$0x3FD9]  }
0x89: {  	s3 =	sld [smem:$0x3FFE];
	_ =	sdelay $0x1  }
0x8a: {  	s1 =	srdreg.scid  }
0x8b: {  	s0 =	sand.u32 $0x1, s1  }
0x8c: {  	s17 =	sshll.u32 s0, $0xA;
	s2 =	sadd.s32 s3, s2  }
0x8d: {  	s2 =	sadd.s32 s2, s17  }
0x8e: {  	[smem:$0x3FC5] =	sst s2  }
0x8f: {  	_ = 	snop  }
0x90: {  	s2 =	sld [smem:$0x3FD0];
	(tm) =	ssettm $0x1  }
0x91: {  	s18 =	sld [smem:$0x3FFB];
	_ =	sdelay $0x3  }
0x92: {  	_ =	strace s18  }
0x93: {  	s3 =	sld [smem:$0x3FFC];
	_ =	sdelay $0x3  }
0x94: {  	_ =	strace s3  }
0x95: {  	s3 =	sld [smem:$0x3FFD];
	_ =	sdelay $0x3  }
0x96: {  	_ =	strace s3  }
0x97: {  	_ =	strace $0x8FFFFFFF  }
0x98: {  	s19 =	sld [smem:$0x3FDB];
	_ =	sdelay $0x1  }
0x99: {  	s4 =	simm.s32 $_scs_section_size  }
0x9a: {  	s5 =	simm.s32 $_size__tile_overlayer_lowered;
	s6 =	simm.s32 $_tile_overlayer_lowered  }
0x9b: {  	s22 =	simm.s32 $0x1BFF;
	s21 =	sshll.u32 s6, $0x1;
	s3 =	sadd.s32 s4, s19  }
0x9c: {  	s7 =	simm.s32 $0x0;
	s20 =	sshll.u32 s5, $0x1;
	s5 =	sadd.s32 s21, s3  }
0x9d: {  	[timem:s7], [sflag:s22] =	dma.local [hbm:s5], s20  }
0x9e: {  	_ =	swait.ge [sflag:s22], s20  }
0x9f: {  	s4 =	ssub.s32 $0x0, s20;
	[sflag:s22] =	ssyncset.done $0x0  }
0xa0: {  	[sflag:s22] =	ssyncadd.s32 s4;
	_ =	sdelay $0x1  }
0xa1: {  	s23 =	simm.s32 $0x1B8B  }
0xa2: {  	_ =	swait.ge [sflag:s23], $0x1  }
0xa3: {  	[sflag:s23] =	ssyncset.done $0x0  }
0xa4: {  	s25 =	simm.s32 $0x1B8E;
	s24 =	sld [smem:$0x3FFE];
	[sflag:s23] =	ssyncadd.s32 $0xFFFFFFFF  }
0xa5: {  	s26 =	simm.s32 $execute0_lowered;
	[smem:$0x3FD2] =	sst s25  }
0xa6: {  	s5 =	sshll.u32 s26, $0x1;
	_ =	strace $0x80000046;
	[dreg:$0x1] =	wrdreg $0xFFFFFFFF  }
0xa7: {  	s28 =	simm.s32 $_size_execute0_lowered;
	s3 =	sadd.s32 s3, s5;
	[dreg:$0x0] =	wrdreg $0x0  }
0xa8: {  	s5 =	sshll.u32 s28, $0x1;
	[dreg:$0x2] =	wrdreg s3  }
0xa9: {  	[dreg:$0x3] =	wrdreg s5  }
0xaa: {  	[dreg:$0x4] =	wrdreg $0xC0  }
0xab: {  	_ =	task [dreg:s7], $0x5FFFF  }
0xac: {  	[dreg:$0x1] =	wrdreg $0xFFFFFFFF  }
0xad: {  	[dreg:$0x0] =	wrdreg $0x60  }
0xae: {  	[dreg:$0x2] =	wrdreg s24  }
0xaf: {  	[dreg:$0x3] =	wrdreg s2  }
0xb0: {  	[dreg:$0x4] =	wrdreg $0x9  }
0xb1: {  	_ =	task.clear_ibuf [dreg:s7], $0x5FFFF;
	_ =	strace $0x90000046  }
0xb2: {  	s29 =	simm.s32 $0x9;
	_ =	strace $0x80000048  }
0xb3: {  	_ =	swait.ge [sflag:s29], $0x1  }
0xb4: {  	[sflag:s29] =	ssyncadd.s32 $0xFFFFFFFF  }
0xb5: {  	_ =	strace $0x90000048  }
0xb6: {  	_ =	sfence  }
0xb7: {  	s30 =	sld [smem:$0x0];
	_ =	sdelay $0x2  }
0xb8: {  	s31 =	sshll.u32 s1, $0xD;
	s1 =	sshrl.u32 s1, $0x2  }
0xb9: {  	s3 =	sand.u32 $0x4000, s31;
	s1 =	sadd.s32 s1, s30  }
0xba: {  	s0 =	sor.u32 s3, s0;
	s1 =	sshll.u32 s1, $0x11  }
0xbb: {  	s0 =	sor.u32 s1, s0  }
0xbc: {  	s0 =	sadd.s32 $0x8F2B, s0  }
0xbd: {  	[sflag:s0] =	ssyncadd.remote.s32 $0x1  }
0xbe: {  	_ =	sfence.sel $0xFFFF  }
0xbf: {  	[dreg:$0x0] =	wrdreg $0xFFFFFFFF;
	(pc) =	sbr.abs _section_cstart, $3  }
0xc0: {  	[dreg:$0x1] =	wrdreg $0xFFFFFFFF  }
0xc1: {  	_ =	task.clear_ibuf [dreg:s7], $0x2FFFF;
	_ =	strace $0x9FFFFFFF  }
0xc2: {  	(tm) =	ssettm $0x7FFFFFFF  }
0xc3: {  	_ =	shalt  }
tec
execute0_lowered:
.L_overlay_start_1:
0x0: {  	(tag) =	ssettag $0x1  }
0x1: {  	s4 =	rddreg [dreg:$0x0];
	s1 =	srdreg.scid  }
0x2: {  	s0 =	stileid.u32;
	s13 =	rddreg [dreg:$0x1];
	s2 =	simm.s32 $0x0  }
0x3: {  	s17 =	simm.s32 $0x18700;
	s18 =	simm.s32 $0x1;
	s19 =	simm.s32 $0x1B980  }
0x4: {  	s20 =	simm.s32 $0x2;
	s21 =	simm.s32 $0x1EC00;
	s22 =	simm.s32 $0x3  }
0x5: {  	s23 =	simm.s32 $0x0;
	s5 =	sand.u32 $0x1, s1;
	s1 =	rddreg [dreg:$0x2]  }
0x6: {  	s3 =	sshll.u32 s0, $0x1;
	[smem:$0x7FF] =	sst s2;
	s7 =	sadd.s32 $0x200, s4  }
0x7: {  	s12 =	sor.u32 s5, s3;
	_ =	strace $0x80000047;
	s3 =	sadd.s32 $0x64200, s4  }
0x8: {  	s5 =	ssub.s32 $0x2, s5;
	s4 =	sadd.s32 $0x67400, s4;
	s6 =	smul.u32 $0x19000, s12  }
0x9: {  	s8 =	smul.u32 $0x3200, s12;
	s9 =	sshrl.u32 s5, $0x1;
	s16 =	sshll.u32 s12, $0x6  }
0xa: {  	s15 =	ssub.s32 s5, s9;
	s13 =	sadd.s32 s13, s16;
	s6 =	sshrl.u32 s6, $0x3  }
0xb: {  	s16 =	simm.s32 $0x4;
	s5 =	sadd.s32 s7, s8;
	s14 =	sadd.s32 s7, s6  }
0xc: {  	s6 =	sadd.s32 $0x640, s14;
	s7 =	sadd.s32 $0xC80, s14;
	s8 =	sadd.s32 $0x12C0, s14  }
0xd: {  	s9 =	sadd.s32 $0x1900, s14;
	s10 =	sadd.s32 $0x1F40, s14;
	s11 =	sadd.s32 $0x2580, s14  }
0xe: {  	vm0 =	vmmov $0xff;
	vm1 =	vcmask $0x3F3C;
	s12 =	sadd.s32 $0x2BC0, s14;
	s14 =	smax.u32 s15, $0x1;
	s15 =	simm.s32 $0x1EE00  }
.LBB2_1:
0xf: {  	[tilespmem:s2], [sflag:$0x1] =	stream.linear.gather [hbm4b:s3+s2], $0x18700, $0x38;
	[tilespmem:$0x1EE80] =	vst v63  }
0x10: {  	_ = 	snop  }
0x11: {  	[tilespmem:s15], [sflag:$0x4] =	stream.linear.gather [hbm4b:s4+s2], $0x80, $0x38;
	[tilespmem:$0x1EE80] =	vst v63  }
0x12: {  	_ =	swait.ge [sflag:s16], $0x80  }
0x13: {  	[sflag:s16] =	ssyncset.done $0x0  }
0x14: {  	[sflag:s16] =	ssyncadd.s32 $0xFFFFFF80  }
0x15: {  	v0 =	vld [tilespmem:$0x1EE00];
	[tilespmem:s17], [sflag:$0x2] =	stream.linear.gather [hbm4b:s5+s2], $0x3200, $0x38  }
0x16: {  	_ =	swait.ge [sflag:s18], $0x18700  }
0x17: {  	[sflag:s18] =	ssyncset.done $0x0  }
0x18: {  	[sflag:s18] =	ssyncadd.s32 $0xFFFE7900  }
0x19: {  	[tilespmem:s19], [sflag:$0x3] =	stream.linear.gather [hbm4b:s6+s2], $0x3200, $0x38;
	[tilespmem:$0x1EE80] =	vst v63  }
0x1a: {  	_ =	swait.ge [sflag:s20], $0x3200  }
0x1b: {  	[sflag:s20] =	ssyncset.done $0x0  }
0x1c: {  	s24 =	simm.s32 $0x18760;
	[sflag:s20] =	ssyncadd.s32 $0xFFFFCE00  }
0x1d: {  	v1 =	vld [tilespmem:s24+$0xFFFFFFA0];
	_ =	sdelay $0x1  }
0x1e: {  	v2 =	vld [tilespmem:s24+$0xFFFFFFB0];
	_ =	sdelay $0x1  }
0x1f: {  	v3 =	vld [tilespmem:s24+$0xFFFFFFC0];
	_ =	sdelay $0x1  }
0x20: {  	v4 =	vld [tilespmem:s24+$0xFFFFFFD0]  }
0x21: {  	v5 =	vld [tilespmem:s24+$0xFFFFFFE0]  }
0x22: {  	v1 =	vld.idx.msk [tilespmem:v1+s2+$0x0], $0xffff  }
0x23: {  	v6 =	vld [tilespmem:s24+$0xFFFFFFF0]  }
0x24: {  	v2 =	vld.idx.msk [tilespmem:v2+s2+$0x0], $0xffff  }
0x25: {  	v7 =	vld [tilespmem:s24+$0x0]  }
0x26: {  	v3 =	vld.idx.msk [tilespmem:v3+s2+$0x0], $0xffff  }
0x27: {  	v8 =	vld [tilespmem:s24+$0x10];
	v1 =	vadd.f32 $0.0e+00, v1  }
0x28: {  	s25 =	sand.u32 $0x3FF8, s2;
	v4 =	vld.idx.msk [tilespmem:v4+s2+$0x0], $0xffff  }
0x29: {  	v9 =	vld [tilespmem:s25+$0x18780];
	v1 =	vadd.f32 v2, v1  }
0x2a: {  	v2 =	vld.idx.msk [tilespmem:v5+s2+$0x0], $0xffff  }
0x2b: {  	v57 =	vld [tilespmem:s24+$0x30];
	v1 =	vadd.f32 v3, v1  }
0x2c: {  	v3 =	vld.idx.msk [tilespmem:v6+s2+$0x0], $0xffff  }
0x2d: {  	v58 =	vld [tilespmem:s24+$0x40];
	v1 =	vadd.f32 v4, v1  }
0x2e: {  	v59 =	vld.idx.msk [tilespmem:v7+s2+$0x0], $0xffff  }
0x2f: {  	v60 =	vld [tilespmem:s24+$0x50];
	v1 =	vadd.f32 v2, v1  }
0x30: {  	v2 =	vld.idx.msk [tilespmem:v8+s2+$0x0], $0xffff  }
0x31: {  	v61 =	vld [tilespmem:s24+$0x60];
	v1 =	vadd.f32 v3, v1  }
0x32: {  	v3 =	vld.idx.msk [tilespmem:v9+s2+$0x0], $0xffff  }
0x33: {  	v1 =	vadd.f32 v59, v1  }
0x34: {  	v62 =	vld.idx.msk [tilespmem:v57+s2+$0x0], $0xffff  }
0x35: {  	v1 =	vadd.f32 v2, v1  }
0x36: {  	v2 =	vld.idx.msk [tilespmem:v58+s2+$0x0], $0xffff  }
0x37: {  	v1 =	vadd.f32 v3, v1  }
0x38: {  	v3 =	vld.idx.msk [tilespmem:v60+s2+$0x0], $0xffff  }
0x39: {  	v63 =	vld.idx.msk [tilespmem:v61+s2+$0x0], $0xff;
	v1 =	vadd.f32 v62, v1;
	_ =	sdelay $0x1  }
0x3a: {  	v1 =	vadd.f32 v2, v1;
	_ =	sdelay $0x1  }
0x3b: {  	v1 =	vadd.f32 v3, v1  }
0x3c: {  	v2 =	vnsel vm0, $0x0, v63  }
0x3d: {  	v1 =	vadd.f32 v2, v1;
	_ =	sdelay $0x1  }
0x3e: {  	(xrf2) =	vadd.scan.msk.f32 $0xffff, v1;
	_ =	sdelay $0x7  }
0x3f: {  	v1 =	vmov s2;
	_ =	sdelay $0x1  }
0x40: {  	v2, _, _ =	vpop (xrf2)  }
0x41: {  	v2 =	vadd.f32 v2, v0;
	_ =	sdelay $0x1  }
0x42: {  	s25 =	simm.s32 $0x18828;
	[tilespmem:v1+s21+$0x0] =	vst.idx.msk vm1, v2  }
0x43: {  	s28 =	simm.s32 $0x2;
	s26 =	simm.s32 $0x0;
	s24 =	simm.s32 $0x1;
	v1 =	vld [tilespmem:s25+$0xFFFFFFA0]  }
.LBB2_2:
0x44: {  	p0 =	sne.s32 s28, $0x3F  }
0x45: {  	v2 =	vld [tilespmem:s25+$0xFFFFFFB0];
	_ =	sdelay $0x1  }
0x46: {  	v3 =	vld [tilespmem:s25+$0xFFFFFFC0];
	_ =	sdelay $0x1  }
0x47: {  	v4 =	vld [tilespmem:s25+$0xFFFFFFD0]  }
0x48: {  	v5 =	vld [tilespmem:s25+$0xFFFFFFE0]  }
0x49: {  	v1 =	vld.idx.msk [tilespmem:v1+s2+$0x0], $0xffff  }
0x4a: {  	v6 =	vld [tilespmem:s25+$0xFFFFFFF0]  }
0x4b: {  	v2 =	vld.idx.msk [tilespmem:v2+s2+$0x0], $0xffff  }
0x4c: {  	v7 =	vld [tilespmem:s25+$0x0]  }
0x4d: {  	v3 =	vld.idx.msk [tilespmem:v3+s2+$0x0], $0xffff  }
0x4e: {  	s26 =	sadd.s32 $0xC8, s26;
	v8 =	vld [tilespmem:s25+$0x10]  }
0x4f: {  	s29 =	sand.u32 $0x3FF8, s26;
	v1 =	vadd.f32 $0.0e+00, v1;
	v4 =	vld.idx.msk [tilespmem:v4+s2+$0x0], $0xffff  }
0x50: {  	v9 =	vld [tilespmem:s29+$0x18780]  }
0x51: {  	v1 =	vadd.f32 v2, v1;
	v2 =	vld.idx.msk [tilespmem:v5+s2+$0x0], $0xffff  }
0x52: {  	v5 =	vld [tilespmem:s25+$0x30]  }
0x53: {  	v1 =	vadd.f32 v3, v1;
	v3 =	vld.idx.msk [tilespmem:v6+s2+$0x0], $0xffff  }
0x54: {  	v6 =	vld [tilespmem:s25+$0x40]  }
0x55: {  	v1 =	vadd.f32 v4, v1;
	v4 =	vld.idx.msk [tilespmem:v7+s2+$0x0], $0xffff  }
0x56: {  	v7 =	vld [tilespmem:s25+$0x50]  }
0x57: {  	v1 =	vadd.f32 v2, v1;
	v2 =	vld.idx.msk [tilespmem:v8+s2+$0x0], $0xffff  }
0x58: {  	v8 =	vld [tilespmem:s25+$0x60]  }
0x59: {  	v1 =	vadd.f32 v3, v1;
	v3 =	vld.idx.msk [tilespmem:v9+s2+$0x0], $0xffff;
	_ =	sdelay $0x1  }
0x5a: {  	v1 =	vadd.f32 v4, v1;
	v4 =	vld.idx.msk [tilespmem:v5+s2+$0x0], $0xffff;
	_ =	sdelay $0x1  }
0x5b: {  	v1 =	vadd.f32 v2, v1;
	v2 =	vld.idx.msk [tilespmem:v6+s2+$0x0], $0xffff;
	_ =	sdelay $0x1  }
0x5c: {  	v1 =	vadd.f32 v3, v1;
	v3 =	vld.idx.msk [tilespmem:v7+s2+$0x0], $0xffff  }
0x5d: {  	v5 =	vld.idx.msk [tilespmem:v8+s2+$0x0], $0xff  }
0x5e: {  	v1 =	vadd.f32 v4, v1;
	_ =	sdelay $0x1  }
0x5f: {  	v1 =	vadd.f32 v2, v1;
	_ =	sdelay $0x1  }
0x60: {  	v1 =	vadd.f32 v3, v1  }
0x61: {  	v2 =	vnsel vm0, $0x0, v5  }
0x62: {  	v1 =	vadd.f32 v2, v1;
	_ =	sdelay $0x1  }
0x63: {  	(xrf2) =	vadd.scan.msk.f32 $0xffff, v1;
	_ =	sdelay $0x7  }
0x64: {  	v1 =	vmov s24;
	s24 =	smov.u32 s28;
	_ =	sdelay $0x1  }
.Ltmp0:
0x65: {  	v2, _, _ =	vpop (xrf2);
	(pc) =	sbr.rel @p0 .LBB2_2-.Ltmp0, $3  }
0x66: {  	v2 =	vadd.f32 v2, v0;
	_ =	sdelay $0x1  }
0x67: {  	s25 =	sadd.s32 $0xC8, s25;
	[tilespmem:v1+s21+$0x0] =	vst.idx.msk vm1, v2  }
0x68: {  	s28 =	sadd.s32 $0x1, s28;
	v1 =	vld [tilespmem:s25+$0xFFFFFFA0]  }
0x69: {  	_ =	sdelay $0x1  }
0x6a: {  	v2 =	vld [tilespmem:s25+$0xFFFFFFB0];
	_ =	sdelay $0x1  }
0x6b: {  	v3 =	vld [tilespmem:s25+$0xFFFFFFC0];
	_ =	sdelay $0x1  }
0x6c: {  	v4 =	vld [tilespmem:s25+$0xFFFFFFD0]  }
0x6d: {  	v5 =	vld [tilespmem:s25+$0xFFFFFFE0]  }
0x6e: {  	v1 =	vld.idx.msk [tilespmem:v1+s2+$0x0], $0xffff  }
0x6f: {  	v6 =	vld [tilespmem:s25+$0xFFFFFFF0]  }
0x70: {  	v2 =	vld.idx.msk [tilespmem:v2+s2+$0x0], $0xffff  }
0x71: {  	v7 =	vld [tilespmem:s25+$0x0]  }
0x72: {  	v3 =	vld.idx.msk [tilespmem:v3+s2+$0x0], $0xffff  }
0x73: {  	v8 =	vld [tilespmem:s25+$0x10];
	s26 =	sadd.s32 $0xC8, s26;
	v1 =	vadd.f32 $0.0e+00, v1  }
0x74: {  	s26 =	sand.u32 $0x3FF8, s26;
	v4 =	vld.idx.msk [tilespmem:v4+s2+$0x0], $0xffff  }
0x75: {  	v9 =	vld [tilespmem:s26+$0x18780];
	v1 =	vadd.f32 v2, v1  }
0x76: {  	v2 =	vld.idx.msk [tilespmem:v5+s2+$0x0], $0xffff  }
0x77: {  	v44 =	vld [tilespmem:s25+$0x30];
	v1 =	vadd.f32 v3, v1  }
0x78: {  	v3 =	vld.idx.msk [tilespmem:v6+s2+$0x0], $0xffff  }
0x79: {  	v45 =	vld [tilespmem:s25+$0x40];
	v1 =	vadd.f32 v4, v1  }
0x7a: {  	v46 =	vld.idx.msk [tilespmem:v7+s2+$0x0], $0xffff  }
0x7b: {  	v47 =	vld [tilespmem:s25+$0x50];
	v1 =	vadd.f32 v2, v1  }
0x7c: {  	v2 =	vld.idx.msk [tilespmem:v8+s2+$0x0], $0xffff  }
0x7d: {  	v48 =	vld [tilespmem:s25+$0x60];
	v1 =	vadd.f32 v3, v1  }
0x7e: {  	v3 =	vld.idx.msk [tilespmem:v9+s2+$0x0], $0xffff  }
0x7f: {  	v1 =	vadd.f32 v46, v1  }
0x80: {  	v49 =	vld.idx.msk [tilespmem:v44+s2+$0x0], $0xffff  }
0x81: {  	v1 =	vadd.f32 v2, v1  }
0x82: {  	v2 =	vld.idx.msk [tilespmem:v45+s2+$0x0], $0xffff  }
0x83: {  	v1 =	vadd.f32 v3, v1  }
0x84: {  	v3 =	vld.idx.msk [tilespmem:v47+s2+$0x0], $0xffff  }
0x85: {  	v50 =	vld.idx.msk [tilespmem:v48+s2+$0x0], $0xff;
	v1 =	vadd.f32 v49, v1;
	_ =	sdelay $0x1  }
0x86: {  	v1 =	vadd.f32 v2, v1;
	_ =	sdelay $0x1  }
0x87: {  	v1 =	vadd.f32 v3, v1  }
0x88: {  	v2 =	vnsel vm0, $0x0, v50  }
0x89: {  	v1 =	vadd.f32 v2, v1;
	_ =	sdelay $0x1  }
0x8a: {  	(xrf2) =	vadd.scan.msk.f32 $0xffff, v1;
	_ =	sdelay $0x7  }
0x8b: {  	v1 =	vmov s24;
	_ =	sdelay $0x1  }
0x8c: {  	v2, _, _ =	vpop (xrf2)  }
0x8d: {  	v2 =	vadd.f32 v2, v0;
	_ =	sdelay $0x1  }
0x8e: {  	s24 =	simm.s32 $0x0;
	[tilespmem:v1+s21+$0x0] =	vst.idx.msk vm1, v2  }
0x8f: {  	[tilespmem:s17], [sflag:$0x2] =	stream.linear.gather [hbm4b:s7+s24], $0x3200, $0x38;
	[tilespmem:$0x1EE80] =	vst v63  }
0x90: {  	_ =	swait.ge [sflag:s22], $0x3200  }
0x91: {  	[sflag:s22] =	ssyncset.done $0x0  }
0x92: {  	s29 =	simm.s32 $0x1B9E0;
	[sflag:s22] =	ssyncadd.s32 $0xFFFFCE00  }
0x93: {  	v1 =	vld [tilespmem:s29+$0xFFFFFFA0];
	_ =	sdelay $0x1  }
0x94: {  	v2 =	vld [tilespmem:s29+$0xFFFFFFB0];
	_ =	sdelay $0x1  }
0x95: {  	v3 =	vld [tilespmem:s29+$0xFFFFFFC0];
	_ =	sdelay $0x1  }
0x96: {  	v51 =	vld [tilespmem:s29+$0xFFFFFFD0]  }
0x97: {  	v52 =	vld [tilespmem:s29+$0xFFFFFFE0]  }
0x98: {  	v1 =	vld.idx.msk [tilespmem:v1+s2+$0x0], $0xffff  }
0x99: {  	v53 =	vld [tilespmem:s29+$0xFFFFFFF0]  }
0x9a: {  	v2 =	vld.idx.msk [tilespmem:v2+s2+$0x0], $0xffff  }
0x9b: {  	v54 =	vld [tilespmem:s29+$0x0]  }
0x9c: {  	v3 =	vld.idx.msk [tilespmem:v3+s2+$0x0], $0xffff  }
0x9d: {  	v55 =	vld [tilespmem:s29+$0x10];
	v1 =	vadd.f32 $0.0e+00, v1  }
0x9e: {  	s30 =	sand.u32 $0x3FF8, s24;
	v4 =	vld.idx.msk [tilespmem:v51+s2+$0x0], $0xffff  }
0x9f: {  	v56 =	vld [tilespmem:s30+$0x1BA00];
	v1 =	vadd.f32 v2, v1  }
0xa0: {  	v2 =	vld.idx.msk [tilespmem:v52+s2+$0x0], $0xffff  }
0xa1: {  	v57 =	vld [tilespmem:s29+$0x30];
	v1 =	vadd.f32 v3, v1  }
0xa2: {  	v3 =	vld.idx.msk [tilespmem:v53+s2+$0x0], $0xffff  }
0xa3: {  	v58 =	vld [tilespmem:s29+$0x40];
	v1 =	vadd.f32 v4, v1  }
0xa4: {  	v59 =	vld.idx.msk [tilespmem:v54+s2+$0x0], $0xffff  }
0xa5: {  	v60 =	vld [tilespmem:s29+$0x50];
	v1 =	vadd.f32 v2, v1  }
0xa6: {  	v2 =	vld.idx.msk [tilespmem:v55+s2+$0x0], $0xffff  }
0xa7: {  	v61 =	vld [tilespmem:s29+$0x60];
	v1 =	vadd.f32 v3, v1  }
0xa8: {  	v3 =	vld.idx.msk [tilespmem:v56+s2+$0x0], $0xffff  }
0xa9: {  	v1 =	vadd.f32 v59, v1  }
0xaa: {  	v62 =	vld.idx.msk [tilespmem:v57+s2+$0x0], $0xffff  }
0xab: {  	v1 =	vadd.f32 v2, v1  }
0xac: {  	v2 =	vld.idx.msk [tilespmem:v58+s2+$0x0], $0xffff  }
0xad: {  	v1 =	vadd.f32 v3, v1  }
0xae: {  	v3 =	vld.idx.msk [tilespmem:v60+s2+$0x0], $0xffff  }
0xaf: {  	v63 =	vld.idx.msk [tilespmem:v61+s2+$0x0], $0xff;
	v1 =	vadd.f32 v62, v1;
	_ =	sdelay $0x1  }
0xb0: {  	v1 =	vadd.f32 v2, v1;
	_ =	sdelay $0x1  }
0xb1: {  	v1 =	vadd.f32 v3, v1  }
0xb2: {  	v2 =	vnsel vm0, $0x0, v63  }
0xb3: {  	v1 =	vadd.f32 v2, v1;
	_ =	sdelay $0x1  }
0xb4: {  	(xrf2) =	vadd.scan.msk.f32 $0xffff, v1;
	_ =	sdelay $0x6  }
0xb5: {  	s31 =	simm.s32 $0x40  }
0xb6: {  	v1 =	vmov s31;
	_ =	sdelay $0x1  }
0xb7: {  	v2, _, _ =	vpop (xrf2)  }
0xb8: {  	v2 =	vadd.f32 v2, v0;
	_ =	sdelay $0x1  }
0xb9: {  	s26 =	simm.s32 $0x1BAA8;
	[tilespmem:v1+s21+$0x0] =	vst.idx.msk vm1, v2  }
0xba: {  	s25 =	simm.s32 $0x41;
	s28 =	simm.s32 $0x42;
	v1 =	vld [tilespmem:s26+$0xFFFFFFA0]  }
.LBB2_4:
0xbb: {  	p0 =	sne.s32 s28, $0x7F  }
0xbc: {  	v2 =	vld [tilespmem:s26+$0xFFFFFFB0];
	_ =	sdelay $0x1  }
0xbd: {  	v3 =	vld [tilespmem:s26+$0xFFFFFFC0];
	_ =	sdelay $0x1  }
0xbe: {  	v4 =	vld [tilespmem:s26+$0xFFFFFFD0]  }
0xbf: {  	v5 =	vld [tilespmem:s26+$0xFFFFFFE0]  }
0xc0: {  	v1 =	vld.idx.msk [tilespmem:v1+s2+$0x0], $0xffff  }
0xc1: {  	v6 =	vld [tilespmem:s26+$0xFFFFFFF0]  }
0xc2: {  	v2 =	vld.idx.msk [tilespmem:v2+s2+$0x0], $0xffff  }
0xc3: {  	v7 =	vld [tilespmem:s26+$0x0]  }
0xc4: {  	v3 =	vld.idx.msk [tilespmem:v3+s2+$0x0], $0xffff  }
0xc5: {  	s24 =	sadd.s32 $0xC8, s24;
	v8 =	vld [tilespmem:s26+$0x10]  }
0xc6: {  	s29 =	sand.u32 $0x3FF8, s24;
	v1 =	vadd.f32 $0.0e+00, v1;
	v4 =	vld.idx.msk [tilespmem:v4+s2+$0x0], $0xffff  }
0xc7: {  	v9 =	vld [tilespmem:s29+$0x1BA00]  }
0xc8: {  	v1 =	vadd.f32 v2, v1;
	v2 =	vld.idx.msk [tilespmem:v5+s2+$0x0], $0xffff  }
0xc9: {  	v5 =	vld [tilespmem:s26+$0x30]  }
0xca: {  	v1 =	vadd.f32 v3, v1;
	v3 =	vld.idx.msk [tilespmem:v6+s2+$0x0], $0xffff  }
0xcb: {  	v6 =	vld [tilespmem:s26+$0x40]  }
0xcc: {  	v1 =	vadd.f32 v4, v1;
	v4 =	vld.idx.msk [tilespmem:v7+s2+$0x0], $0xffff  }
0xcd: {  	v7 =	vld [tilespmem:s26+$0x50]  }
0xce: {  	v1 =	vadd.f32 v2, v1;
	v2 =	vld.idx.msk [tilespmem:v8+s2+$0x0], $0xffff  }
0xcf: {  	v8 =	vld [tilespmem:s26+$0x60]  }
0xd0: {  	v1 =	vadd.f32 v3, v1;
	v3 =	vld.idx.msk [tilespmem:v9+s2+$0x0], $0xffff;
	_ =	sdelay $0x1  }
0xd1: {  	v1 =	vadd.f32 v4, v1;
	v4 =	vld.idx.msk [tilespmem:v5+s2+$0x0], $0xffff;
	_ =	sdelay $0x1  }
0xd2: {  	v1 =	vadd.f32 v2, v1;
	v2 =	vld.idx.msk [tilespmem:v6+s2+$0x0], $0xffff;
	_ =	sdelay $0x1  }
0xd3: {  	v1 =	vadd.f32 v3, v1;
	v3 =	vld.idx.msk [tilespmem:v7+s2+$0x0], $0xffff  }
0xd4: {  	v5 =	vld.idx.msk [tilespmem:v8+s2+$0x0], $0xff  }
0xd5: {  	v1 =	vadd.f32 v4, v1;
	_ =	sdelay $0x1  }
0xd6: {  	v1 =	vadd.f32 v2, v1;
	_ =	sdelay $0x1  }
0xd7: {  	v1 =	vadd.f32 v3, v1  }
0xd8: {  	v2 =	vnsel vm0, $0x0, v5  }
0xd9: {  	v1 =	vadd.f32 v2, v1;
	_ =	sdelay $0x1  }
0xda: {  	(xrf2) =	vadd.scan.msk.f32 $0xffff, v1;
	_ =	sdelay $0x7  }
0xdb: {  	v1 =	vmov s25;
	s25 =	smov.u32 s28;
	_ =	sdelay $0x1  }
.Ltmp1:
0xdc: {  	v2, _, _ =	vpop (xrf2);
	(pc) =	sbr.rel @p0 .LBB2_4-.Ltmp1, $3  }
0xdd: {  	v2 =	vadd.f32 v2, v0;
	_ =	sdelay $0x1  }
0xde: {  	s26 =	sadd.s32 $0xC8, s26;
	[tilespmem:v1+s21+$0x0] =	vst.idx.msk vm1, v2  }
0xdf: {  	s28 =	sadd.s32 $0x1, s28;
	v1 =	vld [tilespmem:s26+$0xFFFFFFA0]  }
0xe0: {  	_ =	sdelay $0x1  }
0xe1: {  	v2 =	vld [tilespmem:s26+$0xFFFFFFB0];
	_ =	sdelay $0x1  }
0xe2: {  	v3 =	vld [tilespmem:s26+$0xFFFFFFC0];
	_ =	sdelay $0x1  }
0xe3: {  	v4 =	vld [tilespmem:s26+$0xFFFFFFD0]  }
0xe4: {  	v5 =	vld [tilespmem:s26+$0xFFFFFFE0]  }
0xe5: {  	v1 =	vld.idx.msk [tilespmem:v1+s2+$0x0], $0xffff  }
0xe6: {  	v6 =	vld [tilespmem:s26+$0xFFFFFFF0]  }
0xe7: {  	v2 =	vld.idx.msk [tilespmem:v2+s2+$0x0], $0xffff  }
0xe8: {  	v7 =	vld [tilespmem:s26+$0x0]  }
0xe9: {  	v3 =	vld.idx.msk [tilespmem:v3+s2+$0x0], $0xffff  }
0xea: {  	v8 =	vld [tilespmem:s26+$0x10];
	s24 =	sadd.s32 $0xC8, s24;
	v1 =	vadd.f32 $0.0e+00, v1  }
0xeb: {  	s24 =	sand.u32 $0x3FF8, s24;
	v4 =	vld.idx.msk [tilespmem:v4+s2+$0x0], $0xffff  }
0xec: {  	v9 =	vld [tilespmem:s24+$0x1BA00];
	v1 =	vadd.f32 v2, v1  }
0xed: {  	v2 =	vld.idx.msk [tilespmem:v5+s2+$0x0], $0xffff  }
0xee: {  	v44 =	vld [tilespmem:s26+$0x30];
	v1 =	vadd.f32 v3, v1  }
0xef: {  	v3 =	vld.idx.msk [tilespmem:v6+s2+$0x0], $0xffff  }
0xf0: {  	v45 =	vld [tilespmem:s26+$0x40];
	v1 =	vadd.f32 v4, v1  }
0xf1: {  	v46 =	vld.idx.msk [tilespmem:v7+s2+$0x0], $0xffff  }
0xf2: {  	v47 =	vld [tilespmem:s26+$0x50];
	v1 =	vadd.f32 v2, v1  }
0xf3: {  	v2 =	vld.idx.msk [tilespmem:v8+s2+$0x0], $0xffff  }
0xf4: {  	v48 =	vld [tilespmem:s26+$0x60];
	v1 =	vadd.f32 v3, v1  }
0xf5: {  	v3 =	vld.idx.msk [tilespmem:v9+s2+$0x0], $0xffff  }
0xf6: {  	v1 =	vadd.f32 v46, v1  }
0xf7: {  	v49 =	vld.idx.msk [tilespmem:v44+s2+$0x0], $0xffff  }
0xf8: {  	v1 =	vadd.f32 v2, v1  }
0xf9: {  	v2 =	vld.idx.msk [tilespmem:v45+s2+$0x0], $0xffff  }
0xfa: {  	v1 =	vadd.f32 v3, v1  }
0xfb: {  	v3 =	vld.idx.msk [tilespmem:v47+s2+$0x0], $0xffff  }
0xfc: {  	v50 =	vld.idx.msk [tilespmem:v48+s2+$0x0], $0xff;
	v1 =	vadd.f32 v49, v1;
	_ =	sdelay $0x1  }
0xfd: {  	v1 =	vadd.f32 v2, v1;
	_ =	sdelay $0x1  }
0xfe: {  	v1 =	vadd.f32 v3, v1  }
0xff: {  	v2 =	vnsel vm0, $0x0, v50  }
0x100: {  	v1 =	vadd.f32 v2, v1;
	_ =	sdelay $0x1  }
0x101: {  	(xrf2) =	vadd.scan.msk.f32 $0xffff, v1;
	_ =	sdelay $0x7  }
0x102: {  	v1 =	vmov s25;
	_ =	sdelay $0x1  }
0x103: {  	v2, _, _ =	vpop (xrf2)  }
0x104: {  	v2 =	vadd.f32 v2, v0;
	_ =	sdelay $0x1  }
0x105: {  	s24 =	simm.s32 $0x0;
	[tilespmem:v1+s21+$0x0] =	vst.idx.msk vm1, v2  }
0x106: {  	[tilespmem:s19], [sflag:$0x3] =	stream.linear.gather [hbm4b:s8+s24], $0x3200, $0x38;
	[tilespmem:$0x1EE80] =	vst v63  }
0x107: {  	_ =	swait.ge [sflag:s20], $0x3200  }
0x108: {  	[sflag:s20] =	ssyncset.done $0x0  }
0x109: {  	s29 =	simm.s32 $0x18760;
	[sflag:s20] =	ssyncadd.s32 $0xFFFFCE00  }
0x10a: {  	v1 =	vld [tilespmem:s29+$0xFFFFFFA0];
	_ =	sdelay $0x1  }
0x10b: {  	v2 =	vld [tilespmem:s29+$0xFFFFFFB0];
	_ =	sdelay $0x1  }
0x10c: {  	v3 =	vld [tilespmem:s29+$0xFFFFFFC0];
	_ =	sdelay $0x1  }
0x10d: {  	v51 =	vld [tilespmem:s29+$0xFFFFFFD0]  }
0x10e: {  	v52 =	vld [tilespmem:s29+$0xFFFFFFE0]  }
0x10f: {  	v1 =	vld.idx.msk [tilespmem:v1+s2+$0x0], $0xffff  }
0x110: {  	v53 =	vld [tilespmem:s29+$0xFFFFFFF0]  }
0x111: {  	v2 =	vld.idx.msk [tilespmem:v2+s2+$0x0], $0xffff  }
0x112: {  	v54 =	vld [tilespmem:s29+$0x0]  }
0x113: {  	v3 =	vld.idx.msk [tilespmem:v3+s2+$0x0], $0xffff  }
0x114: {  	v55 =	vld [tilespmem:s29+$0x10];
	v1 =	vadd.f32 $0.0e+00, v1  }
0x115: {  	s30 =	sand.u32 $0x3FF8, s24;
	v4 =	vld.idx.msk [tilespmem:v51+s2+$0x0], $0xffff  }
0x116: {  	v56 =	vld [tilespmem:s30+$0x18780];
	v1 =	vadd.f32 v2, v1  }
0x117: {  	v2 =	vld.idx.msk [tilespmem:v52+s2+$0x0], $0xffff  }
0x118: {  	v57 =	vld [tilespmem:s29+$0x30];
	v1 =	vadd.f32 v3, v1  }
0x119: {  	v3 =	vld.idx.msk [tilespmem:v53+s2+$0x0], $0xffff  }
0x11a: {  	v58 =	vld [tilespmem:s29+$0x40];
	v1 =	vadd.f32 v4, v1  }
0x11b: {  	v59 =	vld.idx.msk [tilespmem:v54+s2+$0x0], $0xffff  }
0x11c: {  	v60 =	vld [tilespmem:s29+$0x50];
	v1 =	vadd.f32 v2, v1  }
0x11d: {  	v2 =	vld.idx.msk [tilespmem:v55+s2+$0x0], $0xffff  }
0x11e: {  	v61 =	vld [tilespmem:s29+$0x60];
	v1 =	vadd.f32 v3, v1  }
0x11f: {  	v3 =	vld.idx.msk [tilespmem:v56+s2+$0x0], $0xffff  }
0x120: {  	v1 =	vadd.f32 v59, v1  }
0x121: {  	v62 =	vld.idx.msk [tilespmem:v57+s2+$0x0], $0xffff  }
0x122: {  	v1 =	vadd.f32 v2, v1  }
0x123: {  	v2 =	vld.idx.msk [tilespmem:v58+s2+$0x0], $0xffff  }
0x124: {  	v1 =	vadd.f32 v3, v1  }
0x125: {  	v3 =	vld.idx.msk [tilespmem:v60+s2+$0x0], $0xffff  }
0x126: {  	v63 =	vld.idx.msk [tilespmem:v61+s2+$0x0], $0xff;
	v1 =	vadd.f32 v62, v1;
	_ =	sdelay $0x1  }
0x127: {  	v1 =	vadd.f32 v2, v1;
	_ =	sdelay $0x1  }
0x128: {  	v1 =	vadd.f32 v3, v1  }
0x129: {  	v2 =	vnsel vm0, $0x0, v63  }
0x12a: {  	v1 =	vadd.f32 v2, v1;
	_ =	sdelay $0x1  }
0x12b: {  	(xrf2) =	vadd.scan.msk.f32 $0xffff, v1;
	_ =	sdelay $0x6  }
0x12c: {  	s31 =	simm.s32 $0x80  }
0x12d: {  	v1 =	vmov s31;
	_ =	sdelay $0x1  }
0x12e: {  	v2, _, _ =	vpop (xrf2)  }
0x12f: {  	v2 =	vadd.f32 v2, v0;
	_ =	sdelay $0x1  }
0x130: {  	s26 =	simm.s32 $0x18828;
	[tilespmem:v1+s21+$0x0] =	vst.idx.msk vm1, v2  }
0x131: {  	s28 =	simm.s32 $0x82;
	s25 =	simm.s32 $0x81;
	v1 =	vld [tilespmem:s26+$0xFFFFFFA0]  }
.LBB2_6:
0x132: {  	p0 =	sne.s32 s28, $0xBF  }
0x133: {  	v2 =	vld [tilespmem:s26+$0xFFFFFFB0];
	_ =	sdelay $0x1  }
0x134: {  	v3 =	vld [tilespmem:s26+$0xFFFFFFC0];
	_ =	sdelay $0x1  }
0x135: {  	v4 =	vld [tilespmem:s26+$0xFFFFFFD0]  }
0x136: {  	v5 =	vld [tilespmem:s26+$0xFFFFFFE0]  }
0x137: {  	v1 =	vld.idx.msk [tilespmem:v1+s2+$0x0], $0xffff  }
0x138: {  	v6 =	vld [tilespmem:s26+$0xFFFFFFF0]  }
0x139: {  	v2 =	vld.idx.msk [tilespmem:v2+s2+$0x0], $0xffff  }
0x13a: {  	v7 =	vld [tilespmem:s26+$0x0]  }
0x13b: {  	v3 =	vld.idx.msk [tilespmem:v3+s2+$0x0], $0xffff  }
0x13c: {  	s24 =	sadd.s32 $0xC8, s24;
	v8 =	vld [tilespmem:s26+$0x10]  }
0x13d: {  	s29 =	sand.u32 $0x3FF8, s24;
	v1 =	vadd.f32 $0.0e+00, v1;
	v4 =	vld.idx.msk [tilespmem:v4+s2+$0x0], $0xffff  }
0x13e: {  	v9 =	vld [tilespmem:s29+$0x18780]  }
0x13f: {  	v1 =	vadd.f32 v2, v1;
	v2 =	vld.idx.msk [tilespmem:v5+s2+$0x0], $0xffff  }
0x140: {  	v5 =	vld [tilespmem:s26+$0x30]  }
0x141: {  	v1 =	vadd.f32 v3, v1;
	v3 =	vld.idx.msk [tilespmem:v6+s2+$0x0], $0xffff  }
0x142: {  	v6 =	vld [tilespmem:s26+$0x40]  }
0x143: {  	v1 =	vadd.f32 v4, v1;
	v4 =	vld.idx.msk [tilespmem:v7+s2+$0x0], $0xffff  }
0x144: {  	v7 =	vld [tilespmem:s26+$0x50]  }
0x145: {  	v1 =	vadd.f32 v2, v1;
	v2 =	vld.idx.msk [tilespmem:v8+s2+$0x0], $0xffff  }
0x146: {  	v8 =	vld [tilespmem:s26+$0x60]  }
0x147: {  	v1 =	vadd.f32 v3, v1;
	v3 =	vld.idx.msk [tilespmem:v9+s2+$0x0], $0xffff;
	_ =	sdelay $0x1  }
0x148: {  	v1 =	vadd.f32 v4, v1;
	v4 =	vld.idx.msk [tilespmem:v5+s2+$0x0], $0xffff;
	_ =	sdelay $0x1  }
0x149: {  	v1 =	vadd.f32 v2, v1;
	v2 =	vld.idx.msk [tilespmem:v6+s2+$0x0], $0xffff;
	_ =	sdelay $0x1  }
0x14a: {  	v1 =	vadd.f32 v3, v1;
	v3 =	vld.idx.msk [tilespmem:v7+s2+$0x0], $0xffff  }
0x14b: {  	v5 =	vld.idx.msk [tilespmem:v8+s2+$0x0], $0xff  }
0x14c: {  	v1 =	vadd.f32 v4, v1;
	_ =	sdelay $0x1  }
0x14d: {  	v1 =	vadd.f32 v2, v1;
	_ =	sdelay $0x1  }
0x14e: {  	v1 =	vadd.f32 v3, v1  }
0x14f: {  	v2 =	vnsel vm0, $0x0, v5  }
0x150: {  	v1 =	vadd.f32 v2, v1;
	_ =	sdelay $0x1  }
0x151: {  	(xrf2) =	vadd.scan.msk.f32 $0xffff, v1;
	_ =	sdelay $0x7  }
0x152: {  	v1 =	vmov s25;
	s25 =	smov.u32 s28;
	_ =	sdelay $0x1  }
.Ltmp2:
0x153: {  	v2, _, _ =	vpop (xrf2);
	(pc) =	sbr.rel @p0 .LBB2_6-.Ltmp2, $3  }
0x154: {  	v2 =	vadd.f32 v2, v0;
	_ =	sdelay $0x1  }
0x155: {  	s26 =	sadd.s32 $0xC8, s26;
	[tilespmem:v1+s21+$0x0] =	vst.idx.msk vm1, v2  }
0x156: {  	s28 =	sadd.s32 $0x1, s28;
	v1 =	vld [tilespmem:s26+$0xFFFFFFA0]  }
0x157: {  	_ =	sdelay $0x1  }
0x158: {  	v2 =	vld [tilespmem:s26+$0xFFFFFFB0];
	_ =	sdelay $0x1  }
0x159: {  	v3 =	vld [tilespmem:s26+$0xFFFFFFC0];
	_ =	sdelay $0x1  }
0x15a: {  	v4 =	vld [tilespmem:s26+$0xFFFFFFD0]  }
0x15b: {  	v5 =	vld [tilespmem:s26+$0xFFFFFFE0]  }
0x15c: {  	v1 =	vld.idx.msk [tilespmem:v1+s2+$0x0], $0xffff  }
0x15d: {  	v6 =	vld [tilespmem:s26+$0xFFFFFFF0]  }
0x15e: {  	v2 =	vld.idx.msk [tilespmem:v2+s2+$0x0], $0xffff  }
0x15f: {  	v7 =	vld [tilespmem:s26+$0x0]  }
0x160: {  	v3 =	vld.idx.msk [tilespmem:v3+s2+$0x0], $0xffff  }
0x161: {  	v8 =	vld [tilespmem:s26+$0x10];
	s24 =	sadd.s32 $0xC8, s24;
	v1 =	vadd.f32 $0.0e+00, v1  }
0x162: {  	s24 =	sand.u32 $0x3FF8, s24;
	v4 =	vld.idx.msk [tilespmem:v4+s2+$0x0], $0xffff  }
0x163: {  	v9 =	vld [tilespmem:s24+$0x18780];
	v1 =	vadd.f32 v2, v1  }
0x164: {  	v2 =	vld.idx.msk [tilespmem:v5+s2+$0x0], $0xffff  }
0x165: {  	v44 =	vld [tilespmem:s26+$0x30];
	v1 =	vadd.f32 v3, v1  }
0x166: {  	v3 =	vld.idx.msk [tilespmem:v6+s2+$0x0], $0xffff  }
0x167: {  	v45 =	vld [tilespmem:s26+$0x40];
	v1 =	vadd.f32 v4, v1  }
0x168: {  	v46 =	vld.idx.msk [tilespmem:v7+s2+$0x0], $0xffff  }
0x169: {  	v47 =	vld [tilespmem:s26+$0x50];
	v1 =	vadd.f32 v2, v1  }
0x16a: {  	v2 =	vld.idx.msk [tilespmem:v8+s2+$0x0], $0xffff  }
0x16b: {  	v48 =	vld [tilespmem:s26+$0x60];
	v1 =	vadd.f32 v3, v1  }
0x16c: {  	v3 =	vld.idx.msk [tilespmem:v9+s2+$0x0], $0xffff  }
0x16d: {  	v1 =	vadd.f32 v46, v1  }
0x16e: {  	v49 =	vld.idx.msk [tilespmem:v44+s2+$0x0], $0xffff  }
0x16f: {  	v1 =	vadd.f32 v2, v1  }
0x170: {  	v2 =	vld.idx.msk [tilespmem:v45+s2+$0x0], $0xffff  }
0x171: {  	v1 =	vadd.f32 v3, v1  }
0x172: {  	v3 =	vld.idx.msk [tilespmem:v47+s2+$0x0], $0xffff  }
0x173: {  	v50 =	vld.idx.msk [tilespmem:v48+s2+$0x0], $0xff;
	v1 =	vadd.f32 v49, v1;
	_ =	sdelay $0x1  }
0x174: {  	v1 =	vadd.f32 v2, v1;
	_ =	sdelay $0x1  }
0x175: {  	v1 =	vadd.f32 v3, v1  }
0x176: {  	v2 =	vnsel vm0, $0x0, v50  }
0x177: {  	v1 =	vadd.f32 v2, v1;
	_ =	sdelay $0x1  }
0x178: {  	(xrf2) =	vadd.scan.msk.f32 $0xffff, v1;
	_ =	sdelay $0x7  }
0x179: {  	v1 =	vmov s25;
	_ =	sdelay $0x1  }
0x17a: {  	v2, _, _ =	vpop (xrf2)  }
0x17b: {  	v2 =	vadd.f32 v2, v0;
	_ =	sdelay $0x1  }
0x17c: {  	s24 =	simm.s32 $0x0;
	[tilespmem:v1+s21+$0x0] =	vst.idx.msk vm1, v2  }
0x17d: {  	[tilespmem:s17], [sflag:$0x2] =	stream.linear.gather [hbm4b:s9+s24], $0x3200, $0x38;
	[tilespmem:$0x1EE80] =	vst v63  }
0x17e: {  	_ =	swait.ge [sflag:s22], $0x3200  }
0x17f: {  	[sflag:s22] =	ssyncset.done $0x0  }
0x180: {  	s29 =	simm.s32 $0x1B9E0;
	[sflag:s22] =	ssyncadd.s32 $0xFFFFCE00  }
0x181: {  	v1 =	vld [tilespmem:s29+$0xFFFFFFA0];
	_ =	sdelay $0x1  }
0x182: {  	v2 =	vld [tilespmem:s29+$0xFFFFFFB0];
	_ =	sdelay $0x1  }
0x183: {  	v3 =	vld [tilespmem:s29+$0xFFFFFFC0];
	_ =	sdelay $0x1  }
0x184: {  	v51 =	vld [tilespmem:s29+$0xFFFFFFD0]  }
0x185: {  	v52 =	vld [tilespmem:s29+$0xFFFFFFE0]  }
0x186: {  	v1 =	vld.idx.msk [tilespmem:v1+s2+$0x0], $0xffff  }
0x187: {  	v53 =	vld [tilespmem:s29+$0xFFFFFFF0]  }
0x188: {  	v2 =	vld.idx.msk [tilespmem:v2+s2+$0x0], $0xffff  }
0x189: {  	v54 =	vld [tilespmem:s29+$0x0]  }
0x18a: {  	v3 =	vld.idx.msk [tilespmem:v3+s2+$0x0], $0xffff  }
0x18b: {  	v55 =	vld [tilespmem:s29+$0x10];
	v1 =	vadd.f32 $0.0e+00, v1  }
0x18c: {  	s30 =	sand.u32 $0x3FF8, s24;
	v4 =	vld.idx.msk [tilespmem:v51+s2+$0x0], $0xffff  }
0x18d: {  	v56 =	vld [tilespmem:s30+$0x1BA00];
	v1 =	vadd.f32 v2, v1  }
0x18e: {  	v2 =	vld.idx.msk [tilespmem:v52+s2+$0x0], $0xffff  }
0x18f: {  	v57 =	vld [tilespmem:s29+$0x30];
	v1 =	vadd.f32 v3, v1  }
0x190: {  	v3 =	vld.idx.msk [tilespmem:v53+s2+$0x0], $0xffff  }
0x191: {  	v58 =	vld [tilespmem:s29+$0x40];
	v1 =	vadd.f32 v4, v1  }
0x192: {  	v59 =	vld.idx.msk [tilespmem:v54+s2+$0x0], $0xffff  }
0x193: {  	v60 =	vld [tilespmem:s29+$0x50];
	v1 =	vadd.f32 v2, v1  }
0x194: {  	v2 =	vld.idx.msk [tilespmem:v55+s2+$0x0], $0xffff  }
0x195: {  	v61 =	vld [tilespmem:s29+$0x60];
	v1 =	vadd.f32 v3, v1  }
0x196: {  	v3 =	vld.idx.msk [tilespmem:v56+s2+$0x0], $0xffff  }
0x197: {  	v1 =	vadd.f32 v59, v1  }
0x198: {  	v62 =	vld.idx.msk [tilespmem:v57+s2+$0x0], $0xffff  }
0x199: {  	v1 =	vadd.f32 v2, v1  }
0x19a: {  	v2 =	vld.idx.msk [tilespmem:v58+s2+$0x0], $0xffff  }
0x19b: {  	v1 =	vadd.f32 v3, v1  }
0x19c: {  	v3 =	vld.idx.msk [tilespmem:v60+s2+$0x0], $0xffff  }
0x19d: {  	v63 =	vld.idx.msk [tilespmem:v61+s2+$0x0], $0xff;
	v1 =	vadd.f32 v62, v1;
	_ =	sdelay $0x1  }
0x19e: {  	v1 =	vadd.f32 v2, v1;
	_ =	sdelay $0x1  }
0x19f: {  	v1 =	vadd.f32 v3, v1  }
0x1a0: {  	v2 =	vnsel vm0, $0x0, v63  }
0x1a1: {  	v1 =	vadd.f32 v2, v1;
	_ =	sdelay $0x1  }
0x1a2: {  	(xrf2) =	vadd.scan.msk.f32 $0xffff, v1;
	_ =	sdelay $0x6  }
0x1a3: {  	s31 =	simm.s32 $0xC0  }
0x1a4: {  	v1 =	vmov s31;
	_ =	sdelay $0x1  }
0x1a5: {  	v2, _, _ =	vpop (xrf2)  }
0x1a6: {  	v2 =	vadd.f32 v2, v0;
	_ =	sdelay $0x1  }
0x1a7: {  	s26 =	simm.s32 $0x1BAA8;
	[tilespmem:v1+s21+$0x0] =	vst.idx.msk vm1, v2  }
0x1a8: {  	s28 =	simm.s32 $0xC2;
	s25 =	simm.s32 $0xC1;
	v1 =	vld [tilespmem:s26+$0xFFFFFFA0]  }
.LBB2_8:
0x1a9: {  	p0 =	sne.s32 s28, $0xFF  }
0x1aa: {  	v2 =	vld [tilespmem:s26+$0xFFFFFFB0];
	_ =	sdelay $0x1  }
0x1ab: {  	v3 =	vld [tilespmem:s26+$0xFFFFFFC0];
	_ =	sdelay $0x1  }
0x1ac: {  	v4 =	vld [tilespmem:s26+$0xFFFFFFD0]  }
0x1ad: {  	v5 =	vld [tilespmem:s26+$0xFFFFFFE0]  }
0x1ae: {  	v1 =	vld.idx.msk [tilespmem:v1+s2+$0x0], $0xffff  }
0x1af: {  	v6 =	vld [tilespmem:s26+$0xFFFFFFF0]  }
0x1b0: {  	v2 =	vld.idx.msk [tilespmem:v2+s2+$0x0], $0xffff  }
0x1b1: {  	v7 =	vld [tilespmem:s26+$0x0]  }
0x1b2: {  	v3 =	vld.idx.msk [tilespmem:v3+s2+$0x0], $0xffff  }
0x1b3: {  	s24 =	sadd.s32 $0xC8, s24;
	v8 =	vld [tilespmem:s26+$0x10]  }
0x1b4: {  	s29 =	sand.u32 $0x3FF8, s24;
	v1 =	vadd.f32 $0.0e+00, v1;
	v4 =	vld.idx.msk [tilespmem:v4+s2+$0x0], $0xffff  }
0x1b5: {  	v9 =	vld [tilespmem:s29+$0x1BA00]  }
0x1b6: {  	v1 =	vadd.f32 v2, v1;
	v2 =	vld.idx.msk [tilespmem:v5+s2+$0x0], $0xffff  }
0x1b7: {  	v5 =	vld [tilespmem:s26+$0x30]  }
0x1b8: {  	v1 =	vadd.f32 v3, v1;
	v3 =	vld.idx.msk [tilespmem:v6+s2+$0x0], $0xffff  }
0x1b9: {  	v6 =	vld [tilespmem:s26+$0x40]  }
0x1ba: {  	v1 =	vadd.f32 v4, v1;
	v4 =	vld.idx.msk [tilespmem:v7+s2+$0x0], $0xffff  }
0x1bb: {  	v7 =	vld [tilespmem:s26+$0x50]  }
0x1bc: {  	v1 =	vadd.f32 v2, v1;
	v2 =	vld.idx.msk [tilespmem:v8+s2+$0x0], $0xffff  }
0x1bd: {  	v8 =	vld [tilespmem:s26+$0x60]  }
0x1be: {  	v1 =	vadd.f32 v3, v1;
	v3 =	vld.idx.msk [tilespmem:v9+s2+$0x0], $0xffff;
	_ =	sdelay $0x1  }
0x1bf: {  	v1 =	vadd.f32 v4, v1;
	v4 =	vld.idx.msk [tilespmem:v5+s2+$0x0], $0xffff;
	_ =	sdelay $0x1  }
0x1c0: {  	v1 =	vadd.f32 v2, v1;
	v2 =	vld.idx.msk [tilespmem:v6+s2+$0x0], $0xffff;
	_ =	sdelay $0x1  }
0x1c1: {  	v1 =	vadd.f32 v3, v1;
	v3 =	vld.idx.msk [tilespmem:v7+s2+$0x0], $0xffff  }
0x1c2: {  	v5 =	vld.idx.msk [tilespmem:v8+s2+$0x0], $0xff  }
0x1c3: {  	v1 =	vadd.f32 v4, v1;
	_ =	sdelay $0x1  }
0x1c4: {  	v1 =	vadd.f32 v2, v1;
	_ =	sdelay $0x1  }
0x1c5: {  	v1 =	vadd.f32 v3, v1  }
0x1c6: {  	v2 =	vnsel vm0, $0x0, v5  }
0x1c7: {  	v1 =	vadd.f32 v2, v1;
	_ =	sdelay $0x1  }
0x1c8: {  	(xrf2) =	vadd.scan.msk.f32 $0xffff, v1;
	_ =	sdelay $0x7  }
0x1c9: {  	v1 =	vmov s25;
	s25 =	smov.u32 s28;
	_ =	sdelay $0x1  }
.Ltmp3:
0x1ca: {  	v2, _, _ =	vpop (xrf2);
	(pc) =	sbr.rel @p0 .LBB2_8-.Ltmp3, $3  }
0x1cb: {  	v2 =	vadd.f32 v2, v0;
	_ =	sdelay $0x1  }
0x1cc: {  	s26 =	sadd.s32 $0xC8, s26;
	[tilespmem:v1+s21+$0x0] =	vst.idx.msk vm1, v2  }
0x1cd: {  	s28 =	sadd.s32 $0x1, s28;
	v1 =	vld [tilespmem:s26+$0xFFFFFFA0]  }
0x1ce: {  	_ =	sdelay $0x1  }
0x1cf: {  	v2 =	vld [tilespmem:s26+$0xFFFFFFB0];
	_ =	sdelay $0x1  }
0x1d0: {  	v3 =	vld [tilespmem:s26+$0xFFFFFFC0];
	_ =	sdelay $0x1  }
0x1d1: {  	v4 =	vld [tilespmem:s26+$0xFFFFFFD0]  }
0x1d2: {  	v5 =	vld [tilespmem:s26+$0xFFFFFFE0]  }
0x1d3: {  	v1 =	vld.idx.msk [tilespmem:v1+s2+$0x0], $0xffff  }
0x1d4: {  	v6 =	vld [tilespmem:s26+$0xFFFFFFF0]  }
0x1d5: {  	v2 =	vld.idx.msk [tilespmem:v2+s2+$0x0], $0xffff  }
0x1d6: {  	v7 =	vld [tilespmem:s26+$0x0]  }
0x1d7: {  	v3 =	vld.idx.msk [tilespmem:v3+s2+$0x0], $0xffff  }
0x1d8: {  	v8 =	vld [tilespmem:s26+$0x10];
	s24 =	sadd.s32 $0xC8, s24;
	v1 =	vadd.f32 $0.0e+00, v1  }
0x1d9: {  	s24 =	sand.u32 $0x3FF8, s24;
	v4 =	vld.idx.msk [tilespmem:v4+s2+$0x0], $0xffff  }
0x1da: {  	v9 =	vld [tilespmem:s24+$0x1BA00];
	v1 =	vadd.f32 v2, v1  }
0x1db: {  	v2 =	vld.idx.msk [tilespmem:v5+s2+$0x0], $0xffff  }
0x1dc: {  	v44 =	vld [tilespmem:s26+$0x30];
	v1 =	vadd.f32 v3, v1  }
0x1dd: {  	v3 =	vld.idx.msk [tilespmem:v6+s2+$0x0], $0xffff  }
0x1de: {  	v45 =	vld [tilespmem:s26+$0x40];
	v1 =	vadd.f32 v4, v1  }
0x1df: {  	v46 =	vld.idx.msk [tilespmem:v7+s2+$0x0], $0xffff  }
0x1e0: {  	v47 =	vld [tilespmem:s26+$0x50];
	v1 =	vadd.f32 v2, v1  }
0x1e1: {  	v2 =	vld.idx.msk [tilespmem:v8+s2+$0x0], $0xffff  }
0x1e2: {  	v48 =	vld [tilespmem:s26+$0x60];
	v1 =	vadd.f32 v3, v1  }
0x1e3: {  	v3 =	vld.idx.msk [tilespmem:v9+s2+$0x0], $0xffff  }
0x1e4: {  	v1 =	vadd.f32 v46, v1  }
0x1e5: {  	v49 =	vld.idx.msk [tilespmem:v44+s2+$0x0], $0xffff  }
0x1e6: {  	v1 =	vadd.f32 v2, v1  }
0x1e7: {  	v2 =	vld.idx.msk [tilespmem:v45+s2+$0x0], $0xffff  }
0x1e8: {  	v1 =	vadd.f32 v3, v1  }
0x1e9: {  	v3 =	vld.idx.msk [tilespmem:v47+s2+$0x0], $0xffff  }
0x1ea: {  	v50 =	vld.idx.msk [tilespmem:v48+s2+$0x0], $0xff;
	v1 =	vadd.f32 v49, v1;
	_ =	sdelay $0x1  }
0x1eb: {  	v1 =	vadd.f32 v2, v1;
	_ =	sdelay $0x1  }
0x1ec: {  	v1 =	vadd.f32 v3, v1  }
0x1ed: {  	v2 =	vnsel vm0, $0x0, v50  }
0x1ee: {  	v1 =	vadd.f32 v2, v1;
	_ =	sdelay $0x1  }
0x1ef: {  	(xrf2) =	vadd.scan.msk.f32 $0xffff, v1;
	_ =	sdelay $0x7  }
0x1f0: {  	v1 =	vmov s25;
	_ =	sdelay $0x1  }
0x1f1: {  	v2, _, _ =	vpop (xrf2)  }
0x1f2: {  	v2 =	vadd.f32 v2, v0;
	_ =	sdelay $0x1  }
0x1f3: {  	s24 =	simm.s32 $0x0;
	[tilespmem:v1+s21+$0x0] =	vst.idx.msk vm1, v2  }
0x1f4: {  	[tilespmem:s19], [sflag:$0x3] =	stream.linear.gather [hbm4b:s10+s24], $0x3200, $0x38;
	[tilespmem:$0x1EE80] =	vst v63  }
0x1f5: {  	_ =	swait.ge [sflag:s20], $0x3200  }
0x1f6: {  	[sflag:s20] =	ssyncset.done $0x0  }
0x1f7: {  	s29 =	simm.s32 $0x18760;
	[sflag:s20] =	ssyncadd.s32 $0xFFFFCE00  }
0x1f8: {  	v1 =	vld [tilespmem:s29+$0xFFFFFFA0];
	_ =	sdelay $0x1  }
0x1f9: {  	v2 =	vld [tilespmem:s29+$0xFFFFFFB0];
	_ =	sdelay $0x1  }
0x1fa: {  	v3 =	vld [tilespmem:s29+$0xFFFFFFC0];
	_ =	sdelay $0x1  }
0x1fb: {  	v51 =	vld [tilespmem:s29+$0xFFFFFFD0]  }
0x1fc: {  	v52 =	vld [tilespmem:s29+$0xFFFFFFE0]  }
0x1fd: {  	v1 =	vld.idx.msk [tilespmem:v1+s2+$0x0], $0xffff  }
0x1fe: {  	v53 =	vld [tilespmem:s29+$0xFFFFFFF0]  }
0x1ff: {  	v2 =	vld.idx.msk [tilespmem:v2+s2+$0x0], $0xffff  }
0x200: {  	v54 =	vld [tilespmem:s29+$0x0]  }
0x201: {  	v3 =	vld.idx.msk [tilespmem:v3+s2+$0x0], $0xffff  }
0x202: {  	v55 =	vld [tilespmem:s29+$0x10];
	v1 =	vadd.f32 $0.0e+00, v1  }
0x203: {  	s30 =	sand.u32 $0x3FF8, s24;
	v4 =	vld.idx.msk [tilespmem:v51+s2+$0x0], $0xffff  }
0x204: {  	v56 =	vld [tilespmem:s30+$0x18780];
	v1 =	vadd.f32 v2, v1  }
0x205: {  	v2 =	vld.idx.msk [tilespmem:v52+s2+$0x0], $0xffff  }
0x206: {  	v57 =	vld [tilespmem:s29+$0x30];
	v1 =	vadd.f32 v3, v1  }
0x207: {  	v3 =	vld.idx.msk [tilespmem:v53+s2+$0x0], $0xffff  }
0x208: {  	v58 =	vld [tilespmem:s29+$0x40];
	v1 =	vadd.f32 v4, v1  }
0x209: {  	v59 =	vld.idx.msk [tilespmem:v54+s2+$0x0], $0xffff  }
0x20a: {  	v60 =	vld [tilespmem:s29+$0x50];
	v1 =	vadd.f32 v2, v1  }
0x20b: {  	v2 =	vld.idx.msk [tilespmem:v55+s2+$0x0], $0xffff  }
0x20c: {  	v61 =	vld [tilespmem:s29+$0x60];
	v1 =	vadd.f32 v3, v1  }
0x20d: {  	v3 =	vld.idx.msk [tilespmem:v56+s2+$0x0], $0xffff  }
0x20e: {  	v1 =	vadd.f32 v59, v1  }
0x20f: {  	v62 =	vld.idx.msk [tilespmem:v57+s2+$0x0], $0xffff  }
0x210: {  	v1 =	vadd.f32 v2, v1  }
0x211: {  	v2 =	vld.idx.msk [tilespmem:v58+s2+$0x0], $0xffff  }
0x212: {  	v1 =	vadd.f32 v3, v1  }
0x213: {  	v3 =	vld.idx.msk [tilespmem:v60+s2+$0x0], $0xffff  }
0x214: {  	v63 =	vld.idx.msk [tilespmem:v61+s2+$0x0], $0xff;
	v1 =	vadd.f32 v62, v1;
	_ =	sdelay $0x1  }
0x215: {  	v1 =	vadd.f32 v2, v1;
	_ =	sdelay $0x1  }
0x216: {  	v1 =	vadd.f32 v3, v1  }
0x217: {  	v2 =	vnsel vm0, $0x0, v63  }
0x218: {  	v1 =	vadd.f32 v2, v1;
	_ =	sdelay $0x1  }
0x219: {  	(xrf2) =	vadd.scan.msk.f32 $0xffff, v1;
	_ =	sdelay $0x6  }
0x21a: {  	s31 =	simm.s32 $0x100  }
0x21b: {  	v1 =	vmov s31;
	_ =	sdelay $0x1  }
0x21c: {  	v2, _, _ =	vpop (xrf2)  }
0x21d: {  	v2 =	vadd.f32 v2, v0;
	_ =	sdelay $0x1  }
0x21e: {  	s26 =	simm.s32 $0x18828;
	[tilespmem:v1+s21+$0x0] =	vst.idx.msk vm1, v2  }
0x21f: {  	s28 =	simm.s32 $0x102;
	s25 =	simm.s32 $0x101;
	v1 =	vld [tilespmem:s26+$0xFFFFFFA0]  }
.LBB2_10:
0x220: {  	p0 =	sne.s32 s28, $0x13F  }
0x221: {  	v2 =	vld [tilespmem:s26+$0xFFFFFFB0];
	_ =	sdelay $0x1  }
0x222: {  	v3 =	vld [tilespmem:s26+$0xFFFFFFC0];
	_ =	sdelay $0x1  }
0x223: {  	v4 =	vld [tilespmem:s26+$0xFFFFFFD0]  }
0x224: {  	v5 =	vld [tilespmem:s26+$0xFFFFFFE0]  }
0x225: {  	v1 =	vld.idx.msk [tilespmem:v1+s2+$0x0], $0xffff  }
0x226: {  	v6 =	vld [tilespmem:s26+$0xFFFFFFF0]  }
0x227: {  	v2 =	vld.idx.msk [tilespmem:v2+s2+$0x0], $0xffff  }
0x228: {  	v7 =	vld [tilespmem:s26+$0x0]  }
0x229: {  	v3 =	vld.idx.msk [tilespmem:v3+s2+$0x0], $0xffff  }
0x22a: {  	s24 =	sadd.s32 $0xC8, s24;
	v8 =	vld [tilespmem:s26+$0x10]  }
0x22b: {  	s29 =	sand.u32 $0x3FF8, s24;
	v1 =	vadd.f32 $0.0e+00, v1;
	v4 =	vld.idx.msk [tilespmem:v4+s2+$0x0], $0xffff  }
0x22c: {  	v9 =	vld [tilespmem:s29+$0x18780]  }
0x22d: {  	v1 =	vadd.f32 v2, v1;
	v2 =	vld.idx.msk [tilespmem:v5+s2+$0x0], $0xffff  }
0x22e: {  	v5 =	vld [tilespmem:s26+$0x30]  }
0x22f: {  	v1 =	vadd.f32 v3, v1;
	v3 =	vld.idx.msk [tilespmem:v6+s2+$0x0], $0xffff  }
0x230: {  	v6 =	vld [tilespmem:s26+$0x40]  }
0x231: {  	v1 =	vadd.f32 v4, v1;
	v4 =	vld.idx.msk [tilespmem:v7+s2+$0x0], $0xffff  }
0x232: {  	v7 =	vld [tilespmem:s26+$0x50]  }
0x233: {  	v1 =	vadd.f32 v2, v1;
	v2 =	vld.idx.msk [tilespmem:v8+s2+$0x0], $0xffff  }
0x234: {  	v8 =	vld [tilespmem:s26+$0x60]  }
0x235: {  	v1 =	vadd.f32 v3, v1;
	v3 =	vld.idx.msk [tilespmem:v9+s2+$0x0], $0xffff;
	_ =	sdelay $0x1  }
0x236: {  	v1 =	vadd.f32 v4, v1;
	v4 =	vld.idx.msk [tilespmem:v5+s2+$0x0], $0xffff;
	_ =	sdelay $0x1  }
0x237: {  	v1 =	vadd.f32 v2, v1;
	v2 =	vld.idx.msk [tilespmem:v6+s2+$0x0], $0xffff;
	_ =	sdelay $0x1  }
0x238: {  	v1 =	vadd.f32 v3, v1;
	v3 =	vld.idx.msk [tilespmem:v7+s2+$0x0], $0xffff  }
0x239: {  	v5 =	vld.idx.msk [tilespmem:v8+s2+$0x0], $0xff  }
0x23a: {  	v1 =	vadd.f32 v4, v1;
	_ =	sdelay $0x1  }
0x23b: {  	v1 =	vadd.f32 v2, v1;
	_ =	sdelay $0x1  }
0x23c: {  	v1 =	vadd.f32 v3, v1  }
0x23d: {  	v2 =	vnsel vm0, $0x0, v5  }
0x23e: {  	v1 =	vadd.f32 v2, v1;
	_ =	sdelay $0x1  }
0x23f: {  	(xrf2) =	vadd.scan.msk.f32 $0xffff, v1;
	_ =	sdelay $0x7  }
0x240: {  	v1 =	vmov s25;
	s25 =	smov.u32 s28;
	_ =	sdelay $0x1  }
.Ltmp4:
0x241: {  	v2, _, _ =	vpop (xrf2);
	(pc) =	sbr.rel @p0 .LBB2_10-.Ltmp4, $3  }
0x242: {  	v2 =	vadd.f32 v2, v0;
	_ =	sdelay $0x1  }
0x243: {  	s26 =	sadd.s32 $0xC8, s26;
	[tilespmem:v1+s21+$0x0] =	vst.idx.msk vm1, v2  }
0x244: {  	s28 =	sadd.s32 $0x1, s28;
	v1 =	vld [tilespmem:s26+$0xFFFFFFA0]  }
0x245: {  	_ =	sdelay $0x1  }
0x246: {  	v2 =	vld [tilespmem:s26+$0xFFFFFFB0];
	_ =	sdelay $0x1  }
0x247: {  	v3 =	vld [tilespmem:s26+$0xFFFFFFC0];
	_ =	sdelay $0x1  }
0x248: {  	v4 =	vld [tilespmem:s26+$0xFFFFFFD0]  }
0x249: {  	v5 =	vld [tilespmem:s26+$0xFFFFFFE0]  }
0x24a: {  	v1 =	vld.idx.msk [tilespmem:v1+s2+$0x0], $0xffff  }
0x24b: {  	v6 =	vld [tilespmem:s26+$0xFFFFFFF0]  }
0x24c: {  	v2 =	vld.idx.msk [tilespmem:v2+s2+$0x0], $0xffff  }
0x24d: {  	v7 =	vld [tilespmem:s26+$0x0]  }
0x24e: {  	v3 =	vld.idx.msk [tilespmem:v3+s2+$0x0], $0xffff  }
0x24f: {  	v8 =	vld [tilespmem:s26+$0x10];
	s24 =	sadd.s32 $0xC8, s24;
	v1 =	vadd.f32 $0.0e+00, v1  }
0x250: {  	s24 =	sand.u32 $0x3FF8, s24;
	v4 =	vld.idx.msk [tilespmem:v4+s2+$0x0], $0xffff  }
0x251: {  	v9 =	vld [tilespmem:s24+$0x18780];
	v1 =	vadd.f32 v2, v1  }
0x252: {  	v2 =	vld.idx.msk [tilespmem:v5+s2+$0x0], $0xffff  }
0x253: {  	v44 =	vld [tilespmem:s26+$0x30];
	v1 =	vadd.f32 v3, v1  }
0x254: {  	v3 =	vld.idx.msk [tilespmem:v6+s2+$0x0], $0xffff  }
0x255: {  	v45 =	vld [tilespmem:s26+$0x40];
	v1 =	vadd.f32 v4, v1  }
0x256: {  	v46 =	vld.idx.msk [tilespmem:v7+s2+$0x0], $0xffff  }
0x257: {  	v47 =	vld [tilespmem:s26+$0x50];
	v1 =	vadd.f32 v2, v1  }
0x258: {  	v2 =	vld.idx.msk [tilespmem:v8+s2+$0x0], $0xffff  }
0x259: {  	v48 =	vld [tilespmem:s26+$0x60];
	v1 =	vadd.f32 v3, v1  }
0x25a: {  	v3 =	vld.idx.msk [tilespmem:v9+s2+$0x0], $0xffff  }
0x25b: {  	v1 =	vadd.f32 v46, v1  }
0x25c: {  	v49 =	vld.idx.msk [tilespmem:v44+s2+$0x0], $0xffff  }
0x25d: {  	v1 =	vadd.f32 v2, v1  }
0x25e: {  	v2 =	vld.idx.msk [tilespmem:v45+s2+$0x0], $0xffff  }
0x25f: {  	v1 =	vadd.f32 v3, v1  }
0x260: {  	v3 =	vld.idx.msk [tilespmem:v47+s2+$0x0], $0xffff  }
0x261: {  	v50 =	vld.idx.msk [tilespmem:v48+s2+$0x0], $0xff;
	v1 =	vadd.f32 v49, v1;
	_ =	sdelay $0x1  }
0x262: {  	v1 =	vadd.f32 v2, v1;
	_ =	sdelay $0x1  }
0x263: {  	v1 =	vadd.f32 v3, v1  }
0x264: {  	v2 =	vnsel vm0, $0x0, v50  }
0x265: {  	v1 =	vadd.f32 v2, v1;
	_ =	sdelay $0x1  }
0x266: {  	(xrf2) =	vadd.scan.msk.f32 $0xffff, v1;
	_ =	sdelay $0x7  }
0x267: {  	v1 =	vmov s25;
	_ =	sdelay $0x1  }
0x268: {  	v2, _, _ =	vpop (xrf2)  }
0x269: {  	v2 =	vadd.f32 v2, v0;
	_ =	sdelay $0x1  }
0x26a: {  	s24 =	simm.s32 $0x0;
	[tilespmem:v1+s21+$0x0] =	vst.idx.msk vm1, v2  }
0x26b: {  	[tilespmem:s17], [sflag:$0x2] =	stream.linear.gather [hbm4b:s11+s24], $0x3200, $0x38;
	[tilespmem:$0x1EE80] =	vst v63  }
0x26c: {  	_ =	swait.ge [sflag:s22], $0x3200  }
0x26d: {  	[sflag:s22] =	ssyncset.done $0x0  }
0x26e: {  	s29 =	simm.s32 $0x1B9E0;
	[sflag:s22] =	ssyncadd.s32 $0xFFFFCE00  }
0x26f: {  	v1 =	vld [tilespmem:s29+$0xFFFFFFA0];
	_ =	sdelay $0x1  }
0x270: {  	v2 =	vld [tilespmem:s29+$0xFFFFFFB0];
	_ =	sdelay $0x1  }
0x271: {  	v3 =	vld [tilespmem:s29+$0xFFFFFFC0];
	_ =	sdelay $0x1  }
0x272: {  	v51 =	vld [tilespmem:s29+$0xFFFFFFD0]  }
0x273: {  	v52 =	vld [tilespmem:s29+$0xFFFFFFE0]  }
0x274: {  	v1 =	vld.idx.msk [tilespmem:v1+s2+$0x0], $0xffff  }
0x275: {  	v53 =	vld [tilespmem:s29+$0xFFFFFFF0]  }
0x276: {  	v2 =	vld.idx.msk [tilespmem:v2+s2+$0x0], $0xffff  }
0x277: {  	v54 =	vld [tilespmem:s29+$0x0]  }
0x278: {  	v3 =	vld.idx.msk [tilespmem:v3+s2+$0x0], $0xffff  }
0x279: {  	v55 =	vld [tilespmem:s29+$0x10];
	v1 =	vadd.f32 $0.0e+00, v1  }
0x27a: {  	s30 =	sand.u32 $0x3FF8, s24;
	v4 =	vld.idx.msk [tilespmem:v51+s2+$0x0], $0xffff  }
0x27b: {  	v56 =	vld [tilespmem:s30+$0x1BA00];
	v1 =	vadd.f32 v2, v1  }
0x27c: {  	v2 =	vld.idx.msk [tilespmem:v52+s2+$0x0], $0xffff  }
0x27d: {  	v57 =	vld [tilespmem:s29+$0x30];
	v1 =	vadd.f32 v3, v1  }
0x27e: {  	v3 =	vld.idx.msk [tilespmem:v53+s2+$0x0], $0xffff  }
0x27f: {  	v58 =	vld [tilespmem:s29+$0x40];
	v1 =	vadd.f32 v4, v1  }
0x280: {  	v59 =	vld.idx.msk [tilespmem:v54+s2+$0x0], $0xffff  }
0x281: {  	v60 =	vld [tilespmem:s29+$0x50];
	v1 =	vadd.f32 v2, v1  }
0x282: {  	v2 =	vld.idx.msk [tilespmem:v55+s2+$0x0], $0xffff  }
0x283: {  	v61 =	vld [tilespmem:s29+$0x60];
	v1 =	vadd.f32 v3, v1  }
0x284: {  	v3 =	vld.idx.msk [tilespmem:v56+s2+$0x0], $0xffff  }
0x285: {  	v1 =	vadd.f32 v59, v1  }
0x286: {  	v62 =	vld.idx.msk [tilespmem:v57+s2+$0x0], $0xffff  }
0x287: {  	v1 =	vadd.f32 v2, v1  }
0x288: {  	v2 =	vld.idx.msk [tilespmem:v58+s2+$0x0], $0xffff  }
0x289: {  	v1 =	vadd.f32 v3, v1  }
0x28a: {  	v3 =	vld.idx.msk [tilespmem:v60+s2+$0x0], $0xffff  }
0x28b: {  	v63 =	vld.idx.msk [tilespmem:v61+s2+$0x0], $0xff;
	v1 =	vadd.f32 v62, v1;
	_ =	sdelay $0x1  }
0x28c: {  	v1 =	vadd.f32 v2, v1;
	_ =	sdelay $0x1  }
0x28d: {  	v1 =	vadd.f32 v3, v1  }
0x28e: {  	v2 =	vnsel vm0, $0x0, v63  }
0x28f: {  	v1 =	vadd.f32 v2, v1;
	_ =	sdelay $0x1  }
0x290: {  	(xrf2) =	vadd.scan.msk.f32 $0xffff, v1;
	_ =	sdelay $0x6  }
0x291: {  	s31 =	simm.s32 $0x140  }
0x292: {  	v1 =	vmov s31;
	_ =	sdelay $0x1  }
0x293: {  	v2, _, _ =	vpop (xrf2)  }
0x294: {  	v2 =	vadd.f32 v2, v0;
	_ =	sdelay $0x1  }
0x295: {  	s26 =	simm.s32 $0x1BAA8;
	[tilespmem:v1+s21+$0x0] =	vst.idx.msk vm1, v2  }
0x296: {  	s28 =	simm.s32 $0x142;
	s25 =	simm.s32 $0x141;
	v1 =	vld [tilespmem:s26+$0xFFFFFFA0]  }
.LBB2_12:
0x297: {  	p0 =	sne.s32 s28, $0x17F  }
0x298: {  	v2 =	vld [tilespmem:s26+$0xFFFFFFB0];
	_ =	sdelay $0x1  }
0x299: {  	v3 =	vld [tilespmem:s26+$0xFFFFFFC0];
	_ =	sdelay $0x1  }
0x29a: {  	v4 =	vld [tilespmem:s26+$0xFFFFFFD0]  }
0x29b: {  	v5 =	vld [tilespmem:s26+$0xFFFFFFE0]  }
0x29c: {  	v1 =	vld.idx.msk [tilespmem:v1+s2+$0x0], $0xffff  }
0x29d: {  	v6 =	vld [tilespmem:s26+$0xFFFFFFF0]  }
0x29e: {  	v2 =	vld.idx.msk [tilespmem:v2+s2+$0x0], $0xffff  }
0x29f: {  	v7 =	vld [tilespmem:s26+$0x0]  }
0x2a0: {  	v3 =	vld.idx.msk [tilespmem:v3+s2+$0x0], $0xffff  }
0x2a1: {  	s24 =	sadd.s32 $0xC8, s24;
	v8 =	vld [tilespmem:s26+$0x10]  }
0x2a2: {  	s29 =	sand.u32 $0x3FF8, s24;
	v1 =	vadd.f32 $0.0e+00, v1;
	v4 =	vld.idx.msk [tilespmem:v4+s2+$0x0], $0xffff  }
0x2a3: {  	v9 =	vld [tilespmem:s29+$0x1BA00]  }
0x2a4: {  	v1 =	vadd.f32 v2, v1;
	v2 =	vld.idx.msk [tilespmem:v5+s2+$0x0], $0xffff  }
0x2a5: {  	v5 =	vld [tilespmem:s26+$0x30]  }
0x2a6: {  	v1 =	vadd.f32 v3, v1;
	v3 =	vld.idx.msk [tilespmem:v6+s2+$0x0], $0xffff  }
0x2a7: {  	v6 =	vld [tilespmem:s26+$0x40]  }
0x2a8: {  	v1 =	vadd.f32 v4, v1;
	v4 =	vld.idx.msk [tilespmem:v7+s2+$0x0], $0xffff  }
0x2a9: {  	v7 =	vld [tilespmem:s26+$0x50]  }
0x2aa: {  	v1 =	vadd.f32 v2, v1;
	v2 =	vld.idx.msk [tilespmem:v8+s2+$0x0], $0xffff  }
0x2ab: {  	v8 =	vld [tilespmem:s26+$0x60]  }
0x2ac: {  	v1 =	vadd.f32 v3, v1;
	v3 =	vld.idx.msk [tilespmem:v9+s2+$0x0], $0xffff;
	_ =	sdelay $0x1  }
0x2ad: {  	v1 =	vadd.f32 v4, v1;
	v4 =	vld.idx.msk [tilespmem:v5+s2+$0x0], $0xffff;
	_ =	sdelay $0x1  }
0x2ae: {  	v1 =	vadd.f32 v2, v1;
	v2 =	vld.idx.msk [tilespmem:v6+s2+$0x0], $0xffff;
	_ =	sdelay $0x1  }
0x2af: {  	v1 =	vadd.f32 v3, v1;
	v3 =	vld.idx.msk [tilespmem:v7+s2+$0x0], $0xffff  }
0x2b0: {  	v5 =	vld.idx.msk [tilespmem:v8+s2+$0x0], $0xff  }
0x2b1: {  	v1 =	vadd.f32 v4, v1;
	_ =	sdelay $0x1  }
0x2b2: {  	v1 =	vadd.f32 v2, v1;
	_ =	sdelay $0x1  }
0x2b3: {  	v1 =	vadd.f32 v3, v1  }
0x2b4: {  	v2 =	vnsel vm0, $0x0, v5  }
0x2b5: {  	v1 =	vadd.f32 v2, v1;
	_ =	sdelay $0x1  }
0x2b6: {  	(xrf2) =	vadd.scan.msk.f32 $0xffff, v1;
	_ =	sdelay $0x7  }
0x2b7: {  	v1 =	vmov s25;
	s25 =	smov.u32 s28;
	_ =	sdelay $0x1  }
.Ltmp5:
0x2b8: {  	v2, _, _ =	vpop (xrf2);
	(pc) =	sbr.rel @p0 .LBB2_12-.Ltmp5, $3  }
0x2b9: {  	v2 =	vadd.f32 v2, v0;
	_ =	sdelay $0x1  }
0x2ba: {  	s26 =	sadd.s32 $0xC8, s26;
	[tilespmem:v1+s21+$0x0] =	vst.idx.msk vm1, v2  }
0x2bb: {  	s28 =	sadd.s32 $0x1, s28;
	v1 =	vld [tilespmem:s26+$0xFFFFFFA0]  }
0x2bc: {  	_ =	sdelay $0x1  }
0x2bd: {  	v2 =	vld [tilespmem:s26+$0xFFFFFFB0];
	_ =	sdelay $0x1  }
0x2be: {  	v3 =	vld [tilespmem:s26+$0xFFFFFFC0];
	_ =	sdelay $0x1  }
0x2bf: {  	v4 =	vld [tilespmem:s26+$0xFFFFFFD0]  }
0x2c0: {  	v5 =	vld [tilespmem:s26+$0xFFFFFFE0]  }
0x2c1: {  	v1 =	vld.idx.msk [tilespmem:v1+s2+$0x0], $0xffff  }
0x2c2: {  	v6 =	vld [tilespmem:s26+$0xFFFFFFF0]  }
0x2c3: {  	v2 =	vld.idx.msk [tilespmem:v2+s2+$0x0], $0xffff  }
0x2c4: {  	v7 =	vld [tilespmem:s26+$0x0]  }
0x2c5: {  	v3 =	vld.idx.msk [tilespmem:v3+s2+$0x0], $0xffff  }
0x2c6: {  	v8 =	vld [tilespmem:s26+$0x10];
	s24 =	sadd.s32 $0xC8, s24;
	v1 =	vadd.f32 $0.0e+00, v1  }
0x2c7: {  	s24 =	sand.u32 $0x3FF8, s24;
	v4 =	vld.idx.msk [tilespmem:v4+s2+$0x0], $0xffff  }
0x2c8: {  	v9 =	vld [tilespmem:s24+$0x1BA00];
	v1 =	vadd.f32 v2, v1  }
0x2c9: {  	v2 =	vld.idx.msk [tilespmem:v5+s2+$0x0], $0xffff  }
0x2ca: {  	v44 =	vld [tilespmem:s26+$0x30];
	v1 =	vadd.f32 v3, v1  }
0x2cb: {  	v3 =	vld.idx.msk [tilespmem:v6+s2+$0x0], $0xffff  }
0x2cc: {  	v45 =	vld [tilespmem:s26+$0x40];
	v1 =	vadd.f32 v4, v1  }
0x2cd: {  	v46 =	vld.idx.msk [tilespmem:v7+s2+$0x0], $0xffff  }
0x2ce: {  	v47 =	vld [tilespmem:s26+$0x50];
	v1 =	vadd.f32 v2, v1  }
0x2cf: {  	v2 =	vld.idx.msk [tilespmem:v8+s2+$0x0], $0xffff  }
0x2d0: {  	v48 =	vld [tilespmem:s26+$0x60];
	v1 =	vadd.f32 v3, v1  }
0x2d1: {  	v3 =	vld.idx.msk [tilespmem:v9+s2+$0x0], $0xffff  }
0x2d2: {  	v1 =	vadd.f32 v46, v1  }
0x2d3: {  	v49 =	vld.idx.msk [tilespmem:v44+s2+$0x0], $0xffff  }
0x2d4: {  	v1 =	vadd.f32 v2, v1  }
0x2d5: {  	v2 =	vld.idx.msk [tilespmem:v45+s2+$0x0], $0xffff  }
0x2d6: {  	v1 =	vadd.f32 v3, v1  }
0x2d7: {  	v3 =	vld.idx.msk [tilespmem:v47+s2+$0x0], $0xffff  }
0x2d8: {  	v50 =	vld.idx.msk [tilespmem:v48+s2+$0x0], $0xff;
	v1 =	vadd.f32 v49, v1;
	_ =	sdelay $0x1  }
0x2d9: {  	v1 =	vadd.f32 v2, v1;
	_ =	sdelay $0x1  }
0x2da: {  	v1 =	vadd.f32 v3, v1  }
0x2db: {  	v2 =	vnsel vm0, $0x0, v50  }
0x2dc: {  	v1 =	vadd.f32 v2, v1;
	_ =	sdelay $0x1  }
0x2dd: {  	(xrf2) =	vadd.scan.msk.f32 $0xffff, v1;
	_ =	sdelay $0x7  }
0x2de: {  	v1 =	vmov s25;
	_ =	sdelay $0x1  }
0x2df: {  	v2, _, _ =	vpop (xrf2)  }
0x2e0: {  	v2 =	vadd.f32 v2, v0;
	_ =	sdelay $0x1  }
0x2e1: {  	s24 =	simm.s32 $0x0;
	[tilespmem:v1+s21+$0x0] =	vst.idx.msk vm1, v2  }
0x2e2: {  	[tilespmem:s19], [sflag:$0x3] =	stream.linear.gather [hbm4b:s12+s24], $0x3200, $0x38;
	[tilespmem:$0x1EE80] =	vst v63  }
0x2e3: {  	_ =	swait.ge [sflag:s20], $0x3200  }
0x2e4: {  	[sflag:s20] =	ssyncset.done $0x0  }
0x2e5: {  	s29 =	simm.s32 $0x18760;
	[sflag:s20] =	ssyncadd.s32 $0xFFFFCE00  }
0x2e6: {  	v1 =	vld [tilespmem:s29+$0xFFFFFFA0];
	_ =	sdelay $0x1  }
0x2e7: {  	v2 =	vld [tilespmem:s29+$0xFFFFFFB0];
	_ =	sdelay $0x1  }
0x2e8: {  	v3 =	vld [tilespmem:s29+$0xFFFFFFC0];
	_ =	sdelay $0x1  }
0x2e9: {  	v51 =	vld [tilespmem:s29+$0xFFFFFFD0]  }
0x2ea: {  	v52 =	vld [tilespmem:s29+$0xFFFFFFE0]  }
0x2eb: {  	v1 =	vld.idx.msk [tilespmem:v1+s2+$0x0], $0xffff  }
0x2ec: {  	v53 =	vld [tilespmem:s29+$0xFFFFFFF0]  }
0x2ed: {  	v2 =	vld.idx.msk [tilespmem:v2+s2+$0x0], $0xffff  }
0x2ee: {  	v54 =	vld [tilespmem:s29+$0x0]  }
0x2ef: {  	v3 =	vld.idx.msk [tilespmem:v3+s2+$0x0], $0xffff  }
0x2f0: {  	v55 =	vld [tilespmem:s29+$0x10];
	v1 =	vadd.f32 $0.0e+00, v1  }
0x2f1: {  	s30 =	sand.u32 $0x3FF8, s24;
	v4 =	vld.idx.msk [tilespmem:v51+s2+$0x0], $0xffff  }
0x2f2: {  	v56 =	vld [tilespmem:s30+$0x18780];
	v1 =	vadd.f32 v2, v1  }
0x2f3: {  	v2 =	vld.idx.msk [tilespmem:v52+s2+$0x0], $0xffff  }
0x2f4: {  	v57 =	vld [tilespmem:s29+$0x30];
	v1 =	vadd.f32 v3, v1  }
0x2f5: {  	v3 =	vld.idx.msk [tilespmem:v53+s2+$0x0], $0xffff  }
0x2f6: {  	v58 =	vld [tilespmem:s29+$0x40];
	v1 =	vadd.f32 v4, v1  }
0x2f7: {  	v59 =	vld.idx.msk [tilespmem:v54+s2+$0x0], $0xffff  }
0x2f8: {  	v60 =	vld [tilespmem:s29+$0x50];
	v1 =	vadd.f32 v2, v1  }
0x2f9: {  	v2 =	vld.idx.msk [tilespmem:v55+s2+$0x0], $0xffff  }
0x2fa: {  	v61 =	vld [tilespmem:s29+$0x60];
	v1 =	vadd.f32 v3, v1  }
0x2fb: {  	v3 =	vld.idx.msk [tilespmem:v56+s2+$0x0], $0xffff  }
0x2fc: {  	v1 =	vadd.f32 v59, v1  }
0x2fd: {  	v62 =	vld.idx.msk [tilespmem:v57+s2+$0x0], $0xffff  }
0x2fe: {  	v1 =	vadd.f32 v2, v1  }
0x2ff: {  	v2 =	vld.idx.msk [tilespmem:v58+s2+$0x0], $0xffff  }
0x300: {  	v1 =	vadd.f32 v3, v1  }
0x301: {  	v3 =	vld.idx.msk [tilespmem:v60+s2+$0x0], $0xffff  }
0x302: {  	v63 =	vld.idx.msk [tilespmem:v61+s2+$0x0], $0xff;
	v1 =	vadd.f32 v62, v1;
	_ =	sdelay $0x1  }
0x303: {  	v1 =	vadd.f32 v2, v1;
	_ =	sdelay $0x1  }
0x304: {  	v1 =	vadd.f32 v3, v1  }
0x305: {  	v2 =	vnsel vm0, $0x0, v63  }
0x306: {  	v1 =	vadd.f32 v2, v1;
	_ =	sdelay $0x1  }
0x307: {  	(xrf2) =	vadd.scan.msk.f32 $0xffff, v1;
	_ =	sdelay $0x6  }
0x308: {  	s31 =	simm.s32 $0x180  }
0x309: {  	v1 =	vmov s31;
	_ =	sdelay $0x1  }
0x30a: {  	v2, _, _ =	vpop (xrf2)  }
0x30b: {  	v2 =	vadd.f32 v2, v0;
	_ =	sdelay $0x1  }
0x30c: {  	s26 =	simm.s32 $0x18828;
	[tilespmem:v1+s21+$0x0] =	vst.idx.msk vm1, v2  }
0x30d: {  	s28 =	simm.s32 $0x182;
	s25 =	simm.s32 $0x181;
	v1 =	vld [tilespmem:s26+$0xFFFFFFA0]  }
.LBB2_14:
0x30e: {  	p0 =	sne.s32 s28, $0x1BF  }
0x30f: {  	v2 =	vld [tilespmem:s26+$0xFFFFFFB0];
	_ =	sdelay $0x1  }
0x310: {  	v3 =	vld [tilespmem:s26+$0xFFFFFFC0];
	_ =	sdelay $0x1  }
0x311: {  	v4 =	vld [tilespmem:s26+$0xFFFFFFD0]  }
0x312: {  	v5 =	vld [tilespmem:s26+$0xFFFFFFE0]  }
0x313: {  	v1 =	vld.idx.msk [tilespmem:v1+s2+$0x0], $0xffff  }
0x314: {  	v6 =	vld [tilespmem:s26+$0xFFFFFFF0]  }
0x315: {  	v2 =	vld.idx.msk [tilespmem:v2+s2+$0x0], $0xffff  }
0x316: {  	v7 =	vld [tilespmem:s26+$0x0]  }
0x317: {  	v3 =	vld.idx.msk [tilespmem:v3+s2+$0x0], $0xffff  }
0x318: {  	s24 =	sadd.s32 $0xC8, s24;
	v8 =	vld [tilespmem:s26+$0x10]  }
0x319: {  	s29 =	sand.u32 $0x3FF8, s24;
	v1 =	vadd.f32 $0.0e+00, v1;
	v4 =	vld.idx.msk [tilespmem:v4+s2+$0x0], $0xffff  }
0x31a: {  	v9 =	vld [tilespmem:s29+$0x18780]  }
0x31b: {  	v1 =	vadd.f32 v2, v1;
	v2 =	vld.idx.msk [tilespmem:v5+s2+$0x0], $0xffff  }
0x31c: {  	v5 =	vld [tilespmem:s26+$0x30]  }
0x31d: {  	v1 =	vadd.f32 v3, v1;
	v3 =	vld.idx.msk [tilespmem:v6+s2+$0x0], $0xffff  }
0x31e: {  	v6 =	vld [tilespmem:s26+$0x40]  }
0x31f: {  	v1 =	vadd.f32 v4, v1;
	v4 =	vld.idx.msk [tilespmem:v7+s2+$0x0], $0xffff  }
0x320: {  	v7 =	vld [tilespmem:s26+$0x50]  }
0x321: {  	v1 =	vadd.f32 v2, v1;
	v2 =	vld.idx.msk [tilespmem:v8+s2+$0x0], $0xffff  }
0x322: {  	v8 =	vld [tilespmem:s26+$0x60]  }
0x323: {  	v1 =	vadd.f32 v3, v1;
	v3 =	vld.idx.msk [tilespmem:v9+s2+$0x0], $0xffff;
	_ =	sdelay $0x1  }
0x324: {  	v1 =	vadd.f32 v4, v1;
	v4 =	vld.idx.msk [tilespmem:v5+s2+$0x0], $0xffff;
	_ =	sdelay $0x1  }
0x325: {  	v1 =	vadd.f32 v2, v1;
	v2 =	vld.idx.msk [tilespmem:v6+s2+$0x0], $0xffff;
	_ =	sdelay $0x1  }
0x326: {  	v1 =	vadd.f32 v3, v1;
	v3 =	vld.idx.msk [tilespmem:v7+s2+$0x0], $0xffff  }
0x327: {  	v5 =	vld.idx.msk [tilespmem:v8+s2+$0x0], $0xff  }
0x328: {  	v1 =	vadd.f32 v4, v1;
	_ =	sdelay $0x1  }
0x329: {  	v1 =	vadd.f32 v2, v1;
	_ =	sdelay $0x1  }
0x32a: {  	v1 =	vadd.f32 v3, v1  }
0x32b: {  	v2 =	vnsel vm0, $0x0, v5  }
0x32c: {  	v1 =	vadd.f32 v2, v1;
	_ =	sdelay $0x1  }
0x32d: {  	(xrf2) =	vadd.scan.msk.f32 $0xffff, v1;
	_ =	sdelay $0x7  }
0x32e: {  	v1 =	vmov s25;
	s25 =	smov.u32 s28;
	_ =	sdelay $0x1  }
.Ltmp6:
0x32f: {  	v2, _, _ =	vpop (xrf2);
	(pc) =	sbr.rel @p0 .LBB2_14-.Ltmp6, $3  }
0x330: {  	v2 =	vadd.f32 v2, v0;
	_ =	sdelay $0x1  }
0x331: {  	s26 =	sadd.s32 $0xC8, s26;
	[tilespmem:v1+s21+$0x0] =	vst.idx.msk vm1, v2  }
0x332: {  	s28 =	sadd.s32 $0x1, s28;
	v1 =	vld [tilespmem:s26+$0xFFFFFFA0]  }
0x333: {  	_ =	sdelay $0x1  }
0x334: {  	v2 =	vld [tilespmem:s26+$0xFFFFFFB0];
	_ =	sdelay $0x1  }
0x335: {  	v3 =	vld [tilespmem:s26+$0xFFFFFFC0];
	_ =	sdelay $0x1  }
0x336: {  	v4 =	vld [tilespmem:s26+$0xFFFFFFD0]  }
0x337: {  	v5 =	vld [tilespmem:s26+$0xFFFFFFE0]  }
0x338: {  	v1 =	vld.idx.msk [tilespmem:v1+s2+$0x0], $0xffff  }
0x339: {  	v6 =	vld [tilespmem:s26+$0xFFFFFFF0]  }
0x33a: {  	v2 =	vld.idx.msk [tilespmem:v2+s2+$0x0], $0xffff  }
0x33b: {  	v7 =	vld [tilespmem:s26+$0x0]  }
0x33c: {  	v3 =	vld.idx.msk [tilespmem:v3+s2+$0x0], $0xffff  }
0x33d: {  	v8 =	vld [tilespmem:s26+$0x10];
	s24 =	sadd.s32 $0xC8, s24;
	v1 =	vadd.f32 $0.0e+00, v1  }
0x33e: {  	s24 =	sand.u32 $0x3FF8, s24;
	v4 =	vld.idx.msk [tilespmem:v4+s2+$0x0], $0xffff  }
0x33f: {  	v9 =	vld [tilespmem:s24+$0x18780];
	v1 =	vadd.f32 v2, v1  }
0x340: {  	v2 =	vld.idx.msk [tilespmem:v5+s2+$0x0], $0xffff  }
0x341: {  	v44 =	vld [tilespmem:s26+$0x30];
	v1 =	vadd.f32 v3, v1  }
0x342: {  	v3 =	vld.idx.msk [tilespmem:v6+s2+$0x0], $0xffff  }
0x343: {  	v45 =	vld [tilespmem:s26+$0x40];
	v1 =	vadd.f32 v4, v1  }
0x344: {  	v46 =	vld.idx.msk [tilespmem:v7+s2+$0x0], $0xffff  }
0x345: {  	v47 =	vld [tilespmem:s26+$0x50];
	v1 =	vadd.f32 v2, v1  }
0x346: {  	v2 =	vld.idx.msk [tilespmem:v8+s2+$0x0], $0xffff  }
0x347: {  	v48 =	vld [tilespmem:s26+$0x60];
	v1 =	vadd.f32 v3, v1  }
0x348: {  	v3 =	vld.idx.msk [tilespmem:v9+s2+$0x0], $0xffff  }
0x349: {  	v1 =	vadd.f32 v46, v1  }
0x34a: {  	v49 =	vld.idx.msk [tilespmem:v44+s2+$0x0], $0xffff  }
0x34b: {  	v1 =	vadd.f32 v2, v1  }
0x34c: {  	v2 =	vld.idx.msk [tilespmem:v45+s2+$0x0], $0xffff  }
0x34d: {  	v1 =	vadd.f32 v3, v1  }
0x34e: {  	v3 =	vld.idx.msk [tilespmem:v47+s2+$0x0], $0xffff  }
0x34f: {  	v50 =	vld.idx.msk [tilespmem:v48+s2+$0x0], $0xff;
	v1 =	vadd.f32 v49, v1;
	_ =	sdelay $0x1  }
0x350: {  	v1 =	vadd.f32 v2, v1;
	_ =	sdelay $0x1  }
0x351: {  	v1 =	vadd.f32 v3, v1  }
0x352: {  	v2 =	vnsel vm0, $0x0, v50  }
0x353: {  	v1 =	vadd.f32 v2, v1;
	_ =	sdelay $0x1  }
0x354: {  	(xrf2) =	vadd.scan.msk.f32 $0xffff, v1;
	_ =	sdelay $0x7  }
0x355: {  	v1 =	vmov s25;
	_ =	sdelay $0x1  }
0x356: {  	v2, _, _ =	vpop (xrf2)  }
0x357: {  	v2 =	vadd.f32 v2, v0;
	_ =	sdelay $0x1  }
0x358: {  	[tilespmem:v1+s21+$0x0] =	vst.idx.msk vm1, v2  }
0x359: {  	_ =	swait.ge [sflag:s22], $0x3200  }
0x35a: {  	[sflag:s22] =	ssyncset.done $0x0  }
0x35b: {  	s29 =	simm.s32 $0x1B9E0;
	[sflag:s22] =	ssyncadd.s32 $0xFFFFCE00  }
0x35c: {  	v1 =	vld [tilespmem:s29+$0xFFFFFFA0];
	_ =	sdelay $0x1  }
0x35d: {  	v2 =	vld [tilespmem:s29+$0xFFFFFFB0];
	_ =	sdelay $0x1  }
0x35e: {  	v3 =	vld [tilespmem:s29+$0xFFFFFFC0];
	_ =	sdelay $0x1  }
0x35f: {  	v51 =	vld [tilespmem:s29+$0xFFFFFFD0]  }
0x360: {  	v52 =	vld [tilespmem:s29+$0xFFFFFFE0]  }
0x361: {  	v1 =	vld.idx.msk [tilespmem:v1+s2+$0x0], $0xffff  }
0x362: {  	v53 =	vld [tilespmem:s29+$0xFFFFFFF0]  }
0x363: {  	v2 =	vld.idx.msk [tilespmem:v2+s2+$0x0], $0xffff  }
0x364: {  	v54 =	vld [tilespmem:s29+$0x0]  }
0x365: {  	v3 =	vld.idx.msk [tilespmem:v3+s2+$0x0], $0xffff  }
0x366: {  	s24 =	simm.s32 $0x0;
	v55 =	vld [tilespmem:s29+$0x10];
	v1 =	vadd.f32 $0.0e+00, v1  }
0x367: {  	s30 =	sand.u32 $0x3FF8, s24;
	v4 =	vld.idx.msk [tilespmem:v51+s2+$0x0], $0xffff  }
0x368: {  	v56 =	vld [tilespmem:s30+$0x1BA00];
	v1 =	vadd.f32 v2, v1  }
0x369: {  	v2 =	vld.idx.msk [tilespmem:v52+s2+$0x0], $0xffff  }
0x36a: {  	v57 =	vld [tilespmem:s29+$0x30];
	v1 =	vadd.f32 v3, v1  }
0x36b: {  	v3 =	vld.idx.msk [tilespmem:v53+s2+$0x0], $0xffff  }
0x36c: {  	v58 =	vld [tilespmem:s29+$0x40];
	v1 =	vadd.f32 v4, v1  }
0x36d: {  	v59 =	vld.idx.msk [tilespmem:v54+s2+$0x0], $0xffff  }
0x36e: {  	v60 =	vld [tilespmem:s29+$0x50];
	v1 =	vadd.f32 v2, v1  }
0x36f: {  	v2 =	vld.idx.msk [tilespmem:v55+s2+$0x0], $0xffff  }
0x370: {  	v61 =	vld [tilespmem:s29+$0x60];
	v1 =	vadd.f32 v3, v1  }
0x371: {  	v3 =	vld.idx.msk [tilespmem:v56+s2+$0x0], $0xffff  }
0x372: {  	v1 =	vadd.f32 v59, v1  }
0x373: {  	v62 =	vld.idx.msk [tilespmem:v57+s2+$0x0], $0xffff  }
0x374: {  	v1 =	vadd.f32 v2, v1  }
0x375: {  	v2 =	vld.idx.msk [tilespmem:v58+s2+$0x0], $0xffff  }
0x376: {  	v1 =	vadd.f32 v3, v1  }
0x377: {  	v3 =	vld.idx.msk [tilespmem:v60+s2+$0x0], $0xffff  }
0x378: {  	v63 =	vld.idx.msk [tilespmem:v61+s2+$0x0], $0xff;
	v1 =	vadd.f32 v62, v1;
	_ =	sdelay $0x1  }
0x379: {  	v1 =	vadd.f32 v2, v1;
	_ =	sdelay $0x1  }
0x37a: {  	v1 =	vadd.f32 v3, v1  }
0x37b: {  	v2 =	vnsel vm0, $0x0, v63  }
0x37c: {  	v1 =	vadd.f32 v2, v1;
	_ =	sdelay $0x1  }
0x37d: {  	(xrf2) =	vadd.scan.msk.f32 $0xffff, v1;
	_ =	sdelay $0x6  }
0x37e: {  	s31 =	simm.s32 $0x1C0  }
0x37f: {  	v1 =	vmov s31;
	_ =	sdelay $0x1  }
0x380: {  	v2, _, _ =	vpop (xrf2)  }
0x381: {  	v2 =	vadd.f32 v2, v0;
	_ =	sdelay $0x1  }
0x382: {  	s26 =	simm.s32 $0x1BAA8;
	[tilespmem:v1+s21+$0x0] =	vst.idx.msk vm1, v2  }
0x383: {  	s28 =	simm.s32 $0x1C2;
	s25 =	simm.s32 $0x1C1;
	v1 =	vld [tilespmem:s26+$0xFFFFFFA0]  }
.LBB2_16:
0x384: {  	p0 =	sne.s32 s28, $0x1FF  }
0x385: {  	v2 =	vld [tilespmem:s26+$0xFFFFFFB0];
	_ =	sdelay $0x1  }
0x386: {  	v3 =	vld [tilespmem:s26+$0xFFFFFFC0];
	_ =	sdelay $0x1  }
0x387: {  	v4 =	vld [tilespmem:s26+$0xFFFFFFD0]  }
0x388: {  	v5 =	vld [tilespmem:s26+$0xFFFFFFE0]  }
0x389: {  	v1 =	vld.idx.msk [tilespmem:v1+s2+$0x0], $0xffff  }
0x38a: {  	v6 =	vld [tilespmem:s26+$0xFFFFFFF0]  }
0x38b: {  	v2 =	vld.idx.msk [tilespmem:v2+s2+$0x0], $0xffff  }
0x38c: {  	v7 =	vld [tilespmem:s26+$0x0]  }
0x38d: {  	v3 =	vld.idx.msk [tilespmem:v3+s2+$0x0], $0xffff  }
0x38e: {  	s24 =	sadd.s32 $0xC8, s24;
	v8 =	vld [tilespmem:s26+$0x10]  }
0x38f: {  	s29 =	sand.u32 $0x3FF8, s24;
	v1 =	vadd.f32 $0.0e+00, v1;
	v4 =	vld.idx.msk [tilespmem:v4+s2+$0x0], $0xffff  }
0x390: {  	v9 =	vld [tilespmem:s29+$0x1BA00]  }
0x391: {  	v1 =	vadd.f32 v2, v1;
	v2 =	vld.idx.msk [tilespmem:v5+s2+$0x0], $0xffff  }
0x392: {  	v5 =	vld [tilespmem:s26+$0x30]  }
0x393: {  	v1 =	vadd.f32 v3, v1;
	v3 =	vld.idx.msk [tilespmem:v6+s2+$0x0], $0xffff  }
0x394: {  	v6 =	vld [tilespmem:s26+$0x40]  }
0x395: {  	v1 =	vadd.f32 v4, v1;
	v4 =	vld.idx.msk [tilespmem:v7+s2+$0x0], $0xffff  }
0x396: {  	v7 =	vld [tilespmem:s26+$0x50]  }
0x397: {  	v1 =	vadd.f32 v2, v1;
	v2 =	vld.idx.msk [tilespmem:v8+s2+$0x0], $0xffff  }
0x398: {  	v8 =	vld [tilespmem:s26+$0x60]  }
0x399: {  	v1 =	vadd.f32 v3, v1;
	v3 =	vld.idx.msk [tilespmem:v9+s2+$0x0], $0xffff;
	_ =	sdelay $0x1  }
0x39a: {  	v1 =	vadd.f32 v4, v1;
	v4 =	vld.idx.msk [tilespmem:v5+s2+$0x0], $0xffff;
	_ =	sdelay $0x1  }
0x39b: {  	v1 =	vadd.f32 v2, v1;
	v2 =	vld.idx.msk [tilespmem:v6+s2+$0x0], $0xffff;
	_ =	sdelay $0x1  }
0x39c: {  	v1 =	vadd.f32 v3, v1;
	v3 =	vld.idx.msk [tilespmem:v7+s2+$0x0], $0xffff  }
0x39d: {  	v5 =	vld.idx.msk [tilespmem:v8+s2+$0x0], $0xff  }
0x39e: {  	v1 =	vadd.f32 v4, v1;
	_ =	sdelay $0x1  }
0x39f: {  	v1 =	vadd.f32 v2, v1;
	_ =	sdelay $0x1  }
0x3a0: {  	v1 =	vadd.f32 v3, v1  }
0x3a1: {  	v2 =	vnsel vm0, $0x0, v5  }
0x3a2: {  	v1 =	vadd.f32 v2, v1;
	_ =	sdelay $0x1  }
0x3a3: {  	(xrf2) =	vadd.scan.msk.f32 $0xffff, v1;
	_ =	sdelay $0x7  }
0x3a4: {  	v1 =	vmov s25;
	s25 =	smov.u32 s28;
	_ =	sdelay $0x1  }
.Ltmp7:
0x3a5: {  	v2, _, _ =	vpop (xrf2);
	(pc) =	sbr.rel @p0 .LBB2_16-.Ltmp7, $3  }
0x3a6: {  	v2 =	vadd.f32 v2, v0;
	_ =	sdelay $0x1  }
0x3a7: {  	s26 =	sadd.s32 $0xC8, s26;
	[tilespmem:v1+s21+$0x0] =	vst.idx.msk vm1, v2  }
0x3a8: {  	s28 =	sadd.s32 $0x1, s28;
	v1 =	vld [tilespmem:s26+$0xFFFFFFA0]  }
0x3a9: {  	_ =	sdelay $0x1  }
0x3aa: {  	v2 =	vld [tilespmem:s26+$0xFFFFFFB0];
	_ =	sdelay $0x1  }
0x3ab: {  	v3 =	vld [tilespmem:s26+$0xFFFFFFC0];
	_ =	sdelay $0x1  }
0x3ac: {  	v4 =	vld [tilespmem:s26+$0xFFFFFFD0]  }
0x3ad: {  	v5 =	vld [tilespmem:s26+$0xFFFFFFE0]  }
0x3ae: {  	v1 =	vld.idx.msk [tilespmem:v1+s2+$0x0], $0xffff  }
0x3af: {  	v6 =	vld [tilespmem:s26+$0xFFFFFFF0]  }
0x3b0: {  	v2 =	vld.idx.msk [tilespmem:v2+s2+$0x0], $0xffff  }
0x3b1: {  	v7 =	vld [tilespmem:s26+$0x0]  }
0x3b2: {  	v3 =	vld.idx.msk [tilespmem:v3+s2+$0x0], $0xffff  }
0x3b3: {  	v8 =	vld [tilespmem:s26+$0x10];
	s24 =	sadd.s32 $0xC8, s24;
	v1 =	vadd.f32 $0.0e+00, v1  }
0x3b4: {  	s24 =	sand.u32 $0x3FF8, s24;
	v4 =	vld.idx.msk [tilespmem:v4+s2+$0x0], $0xffff  }
0x3b5: {  	v9 =	vld [tilespmem:s24+$0x1BA00];
	v1 =	vadd.f32 v2, v1  }
0x3b6: {  	v48 =	vld.idx.msk [tilespmem:v5+s2+$0x0], $0xffff  }
0x3b7: {  	v49 =	vld [tilespmem:s26+$0x30];
	v1 =	vadd.f32 v3, v1  }
0x3b8: {  	v50 =	vld.idx.msk [tilespmem:v6+s2+$0x0], $0xffff  }
0x3b9: {  	v51 =	vld [tilespmem:s26+$0x40];
	v1 =	vadd.f32 v4, v1  }
0x3ba: {  	v52 =	vld.idx.msk [tilespmem:v7+s2+$0x0], $0xffff  }
0x3bb: {  	v53 =	vld [tilespmem:s26+$0x50];
	v1 =	vadd.f32 v48, v1  }
0x3bc: {  	v54 =	vld.idx.msk [tilespmem:v8+s2+$0x0], $0xffff  }
0x3bd: {  	v55 =	vld [tilespmem:s26+$0x60];
	v1 =	vadd.f32 v50, v1  }
0x3be: {  	v56 =	vld.idx.msk [tilespmem:v9+s2+$0x0], $0xffff  }
0x3bf: {  	v1 =	vadd.f32 v52, v1  }
0x3c0: {  	v57 =	vld.idx.msk [tilespmem:v49+s2+$0x0], $0xffff  }
0x3c1: {  	v1 =	vadd.f32 v54, v1  }
0x3c2: {  	v58 =	vld.idx.msk [tilespmem:v51+s2+$0x0], $0xffff  }
0x3c3: {  	v1 =	vadd.f32 v56, v1  }
0x3c4: {  	v59 =	vld.idx.msk [tilespmem:v53+s2+$0x0], $0xffff  }
0x3c5: {  	v60 =	vld.idx.msk [tilespmem:v55+s2+$0x0], $0xff;
	v1 =	vadd.f32 v57, v1;
	_ =	sdelay $0x1  }
0x3c6: {  	v1 =	vadd.f32 v58, v1;
	_ =	sdelay $0x1  }
0x3c7: {  	v1 =	vadd.f32 v59, v1  }
0x3c8: {  	v61 =	vnsel vm0, $0x0, v60  }
0x3c9: {  	v1 =	vadd.f32 v61, v1;
	_ =	sdelay $0x1  }
0x3ca: {  	(xrf2) =	vadd.scan.msk.f32 $0xffff, v1;
	_ =	sdelay $0x7  }
0x3cb: {  	v62 =	vmov s25;
	_ =	sdelay $0x1  }
0x3cc: {  	v63, _, _ =	vpop (xrf2)  }
0x3cd: {  	s23 =	sadd.s32 $0x1, s23;
	v0 =	vadd.f32 v63, v0  }
0x3ce: {  	p0 =	sne.s32 s23, s14  }
.Ltmp8:
0x3cf: {  	[tilespmem:v62+s21+$0x0] =	vst.idx.msk vm1, v0;
	(pc) =	sbr.rel @p0 .LBB2_1-.Ltmp8, $4  }
0x3d0: {  	[hbm4b:s13+s2] =	stream.linear.scatter [tilespmem:s21], [sflag:$0x4], $0x200, $0x38;
	[tilespmem:$0x1EE80] =	vst v63  }
0x3d1: {  	_ =	swait.ge [sflag:s16], $0x200  }
0x3d2: {  	[sflag:s16] =	ssyncset.done $0x0  }
0x3d3: {  	[sflag:s16] =	ssyncadd.s32 $0xFFFFFE00  }
0x3d4: {  	_ =	sfence.sel $0x180000  }
0x3d5: {  	[bflag:$0x0] =	sbarrier.arrive $0xFFFF  }
0x3d6: {  	p0 =	sne.s32 s0, $0x0;
	_ =	strace $0x90000047  }
0x3d7: {  	s0 =	sadd.s32 @!p0 $0x100000, s1;
	[bflag:$0x2] =	sbarrier.arrive $0xFFFF  }
0x3d8: {  	[sflag:s0] =	ssyncadd.tile.s32 @!p0 $0x1;
	_ =	shalt  }
.Lfunc_end2:
_tile_overlayer_lowered:
.L_overlay_start_2:
0x3d9: {  	(tag) =	ssettag $0x2  }
0x3da: {  	s0 =	rddreg [dreg:$0x0];
	s2 =	stileid.u32  }
0x3db: {  	s1 =	rddreg [dreg:$0x1];
	p0 =	sne.s32 s2, $0x0  }
0x3dc: {  	s3 =	rddreg [dreg:$0x2];
	[bflag:$0x3] =	sbarrier.arrive $0xFFFF;
	s2 =	simm.s32 @!p0 $0x1C04  }
0x3dd: {  	[timem:s3], [sflag:s2] =	dma.local @!p0 [hbm:s0], s1  }
0x3de: {  	s0 =	simm.s32 @!p0 $0x4  }
0x3df: {  	_ =	swait.ge @!p0 [sflag:s0], s1  }
0x3e0: {  	s1 =	ssub.s32 @!p0 $0x0, s1;
	[sflag:s0] =	ssyncset.done @!p0 $0x0  }
0x3e1: {  	[sflag:s0] =	ssyncadd.s32 @!p0 s1  }
0x3e2: {  	[bflag:$0x3] =	sbarrier.arrive $0xFFFF  }
0x3e3: {  	_ =	shalt  }

</sc_bundles>
